<compile_context>
chip_gen: v7x
topology: tpu7x:2x2x1
jax: 0.10.2.dev20260603
libtpu: 0.0.44.dev20260713+nightly
codegen_flags: <defaults>
</compile_context>

<pallas_src>
import functools

import jax
import jax.numpy as jnp
from jax import lax
from jax.experimental import pallas as pl
from jax.experimental.pallas import tpu as pltpu
from jax.experimental.pallas import tpu_sc as plsc

N, D, H, O, E, K = 16384, 1024, 1024, 1024, 64, 2
M = N * K
BM = 256
MPAD = M + E * BM
T = MPAD // BM
BN_R = 2048
BN_C = 1024

SC_NC, SC_NS = 2, 16
SC_NW = SC_NC * SC_NS
SC_CHUNK = 64



def _router_body(x_ref, wg_ref, bg_ref, w_ref, i_ref):
    logits = jnp.dot(x_ref[...], wg_ref[...]) + bg_ref[...]
    m = jnp.max(logits, axis=1, keepdims=True)
    p = jnp.exp(logits - m)
    probs = p / jnp.sum(p, axis=1, keepdims=True)
    ids = lax.broadcasted_iota(jnp.int32, (BN_R, E), 1)
    w1 = jnp.max(probs, axis=1, keepdims=True)
    i1 = jnp.min(jnp.where(probs == w1, ids, E), axis=1, keepdims=True)
    masked = jnp.where(ids == i1, -jnp.inf, probs)
    w2 = jnp.max(masked, axis=1, keepdims=True)
    i2 = jnp.min(jnp.where(masked == w2, ids, E), axis=1, keepdims=True)
    w_ref[...] = jnp.concatenate([w1, w2], axis=1)
    i_ref[...] = jnp.concatenate([i1, i2], axis=1)


def _router(x, Wg, bg):
    return pl.pallas_call(
        _router_body,
        grid=(N // BN_R,),
        in_specs=[
            pl.BlockSpec((BN_R, D), lambda i: (i, 0)),
            pl.BlockSpec((D, E), lambda i: (0, 0)),
            pl.BlockSpec((1, E), lambda i: (0, 0)),
        ],
        out_specs=[
            pl.BlockSpec((BN_R, K), lambda i: (i, 0)),
            pl.BlockSpec((BN_R, K), lambda i: (i, 0)),
        ],
        out_shape=[
            jax.ShapeDtypeStruct((N, K), jnp.float32),
            jax.ShapeDtypeStruct((N, K), jnp.int32),
        ],
    )(x, Wg, bg.reshape(1, E))



def _sc_mesh():
    return plsc.VectorSubcoreMesh(core_axis_name="c", subcore_axis_name="s")


def _dispatch_gather(tok, dest, x):
    rows_per_w = M // SC_NW
    n_chunks = rows_per_w // SC_CHUNK

    @functools.partial(
        pl.kernel,
        mesh=_sc_mesh(),
        out_type=jax.ShapeDtypeStruct((MPAD, D), jnp.float32),
        scratch_types=[
            pltpu.VMEM((SC_CHUNK,), jnp.int32),
            pltpu.VMEM((SC_CHUNK,), jnp.int32),
            pltpu.VMEM((SC_CHUNK, D), jnp.float32),
            pltpu.SemaphoreType.DMA,
        ],
    )
    def k(tok_hbm, dest_hbm, x_hbm, xs_hbm, tok_v, dest_v, buf, sem):
        wid = lax.axis_index("s") * SC_NC + lax.axis_index("c")
        base = wid * rows_per_w

        def body(i, carry):
            b = base + i * SC_CHUNK
            pltpu.sync_copy(tok_hbm.at[pl.ds(b, SC_CHUNK)], tok_v)
            pltpu.sync_copy(dest_hbm.at[pl.ds(b, SC_CHUNK)], dest_v)
            pltpu.async_copy(x_hbm.at[tok_v], buf, sem).wait()
            pltpu.async_copy(buf, xs_hbm.at[dest_v], sem).wait()
            return carry

        lax.fori_loop(0, n_chunks, body, 0)

    return k(tok, dest, x)


def _unsort_gather(posmap, ys):
    rows_per_w = M // SC_NW
    n_chunks = rows_per_w // SC_CHUNK

    @functools.partial(
        pl.kernel,
        mesh=_sc_mesh(),
        out_type=jax.ShapeDtypeStruct((M, O), jnp.float32),
        scratch_types=[
            pltpu.VMEM((SC_CHUNK,), jnp.int32),
            pltpu.VMEM((SC_CHUNK, O), jnp.float32),
            pltpu.SemaphoreType.DMA,
        ],
    )
    def k(pos_hbm, ys_hbm, yu_hbm, pos_v, buf, sem):
        wid = lax.axis_index("s") * SC_NC + lax.axis_index("c")
        base = wid * rows_per_w

        def body(i, carry):
            b = base + i * SC_CHUNK
            pltpu.sync_copy(pos_hbm.at[pl.ds(b, SC_CHUNK)], pos_v)
            pltpu.async_copy(ys_hbm.at[pos_v], buf, sem).wait()
            pltpu.sync_copy(buf, yu_hbm.at[pl.ds(b, SC_CHUNK)])
            return carry

        lax.fori_loop(0, n_chunks, body, 0)

    return k(posmap, ys)



def _ffn_body(te_ref, xs_ref, w1_ref, b1_ref, w2_ref, b2_ref, out_ref):
    x = xs_ref[...]
    h = jnp.maximum(
        jnp.dot(x, w1_ref[0], preferred_element_type=jnp.float32) + b1_ref[0],
        0.0)
    out_ref[...] = (
        jnp.dot(h, w2_ref[0], preferred_element_type=jnp.float32) + b2_ref[0])


def _ffn(tile_expert, xs, W1, b1, W2, b2):
    grid_spec = pltpu.PrefetchScalarGridSpec(
        num_scalar_prefetch=1,
        grid=(T,),
        in_specs=[
            pl.BlockSpec((BM, D), lambda t, te: (t, 0)),
            pl.BlockSpec((1, D, H), lambda t, te: (te[t], 0, 0)),
            pl.BlockSpec((1, 1, H), lambda t, te: (te[t], 0, 0)),
            pl.BlockSpec((1, H, O), lambda t, te: (te[t], 0, 0)),
            pl.BlockSpec((1, 1, O), lambda t, te: (te[t], 0, 0)),
        ],
        out_specs=pl.BlockSpec((BM, O), lambda t, te: (t, 0)),
    )
    return pl.pallas_call(
        _ffn_body,
        grid_spec=grid_spec,
        out_shape=jax.ShapeDtypeStruct((MPAD, O), jnp.float32),
    )(tile_expert, xs, W1, b1.reshape(E, 1, H), W2, b2.reshape(E, 1, O))



def _combine_body(yu_ref, w_ref, out_ref):
    y0 = yu_ref[:, 0, :]
    y1 = yu_ref[:, 1, :]
    out_ref[...] = w_ref[:, 0:1] * y0 + w_ref[:, 1:2] * y1


def _combine(yu, wtop):
    return pl.pallas_call(
        _combine_body,
        grid=(N // BN_C,),
        in_specs=[
            pl.BlockSpec((BN_C, K, O), lambda i: (i, 0, 0)),
            pl.BlockSpec((BN_C, K), lambda i: (i, 0)),
        ],
        out_specs=pl.BlockSpec((BN_C, O), lambda i: (i, 0)),
        out_shape=jax.ShapeDtypeStruct((N, O), jnp.float32),
    )(yu, wtop)



def kernel(x, Wg, bg, W1, b1, W2, b2):
    wtop, itop = _router(x, Wg, bg)

    e_flat = itop.reshape(-1)
    perm = jnp.argsort(e_flat)
    e_sorted = e_flat[perm]
    tok_sorted = (perm // K).astype(jnp.int32)

    counts = jnp.zeros((E,), jnp.int32).at[e_flat].add(1)
    group_start = jnp.concatenate(
        [jnp.zeros((1,), jnp.int32), jnp.cumsum(counts)[:-1]])
    padded_counts = ((counts + BM - 1) // BM) * BM
    padded_end = jnp.cumsum(padded_counts)
    padded_start = padded_end - padded_counts

    rank = jnp.arange(M, dtype=jnp.int32) - group_start[e_sorted]
    dest = (padded_start[e_sorted] + rank).astype(jnp.int32)

    tile_expert = jnp.clip(
        jnp.searchsorted(padded_end, jnp.arange(T, dtype=jnp.int32) * BM,
                         side="right"),
        0, E - 1).astype(jnp.int32)

    posmap = jnp.zeros((M,), jnp.int32).at[perm].set(dest)

    xs = _dispatch_gather(tok_sorted, dest, x)
    ys = _ffn(tile_expert, xs, W1, b1, W2, b2)
    yu = _unsort_gather(posmap, ys)
    return _combine(yu.reshape(N, K, O), wtop)

# --- scband reference (transcript-rebuilt; emitter-appended) ---
"""Pipeline reference for scband-morph-model-36670430773842 (READ-ONLY COPY).

The authoritative reference and input builder live on the scoring server;
editing this copy changes nothing except your own understanding.
"""

import jax, jax.numpy as jnp
import numpy as np

N = 16384  # tokens (batch=2 * seq=8192)
D = 1024   # input_size / d_model
H = 1024   # expert_hidden_size
O = 1024   # output_size
E = 64     # num_initial_experts
K = 2      # expert_k (top-k routing)


def setup_inputs(seed: int = 0) -> dict:
    key = jax.random.key(seed)
    ks = jax.random.split(key, 6)
    x = jax.random.normal(ks[0], (N, D), dtype=jnp.float32)
    # Gating network weights (Linear D -> E)
    Wg = jax.random.normal(ks[1], (D, E), dtype=jnp.float32) * 0.02
    bg = jnp.zeros((E,), dtype=jnp.float32)
    # Stacked expert parameters: Expert = Linear(D,H) -> ReLU -> Linear(H,O)
    W1 = jax.random.normal(ks[2], (E, D, H), dtype=jnp.float32) * 0.02
    b1 = jnp.zeros((E, H), dtype=jnp.float32)
    W2 = jax.random.normal(ks[3], (E, H, O), dtype=jnp.float32) * 0.02
    b2 = jnp.zeros((E, O), dtype=jnp.float32)
    return {"x": x, "Wg": Wg, "bg": bg, "W1": W1, "b1": b1, "W2": W2, "b2": b2}


def reference(x, Wg, bg, W1, b1, W2, b2):
    # Gating: router logits -> softmax -> top-k routing weights + expert indices
    logits = x @ Wg + bg                      # [N, E]
    probs = jax.nn.softmax(logits, axis=-1)   # [N, E]
    routing_weights, expert_indices = jax.lax.top_k(probs, K)  # [N, K] each
    # MoE dispatch: for each of the k routing slots, gather the selected
    # expert's parameters per token (equivalent to the per-expert masked
    # loop in the torch code) and accumulate weighted expert outputs.
    outputs = jnp.zeros((x.shape[0], O), dtype=x.dtype)
    for i in range(K):
        idx = expert_indices[:, i]            # [N] int32
        w = routing_weights[:, i][:, None]    # [N, 1]
        w1 = jnp.take(W1, idx, axis=0)        # [N, D, H] gather
        b1s = jnp.take(b1, idx, axis=0)       # [N, H]
        w2 = jnp.take(W2, idx, axis=0)        # [N, H, O]
        b2s = jnp.take(b2, idx, axis=0)       # [N, O]
        h = jax.nn.relu(jnp.einsum('nd,ndh->nh', x, w1) + b1s)
        y = jnp.einsum('nh,nho->no', h, w2) + b2s
        outputs = outputs + w * y
    return outputs

if __name__ == "__main__":
    import jax
    _d = setup_inputs()
    print(jax.jit(kernel)(*tuple(_d.values())))

</pallas_src>

<mosaic_0001>
#map = affine_map<(d0, d1) -> (0)>
#map1 = affine_map<(d0, d1) -> (0, 0)>
module attributes {stable_mosaic.version = 14 : i64} {
  func.func @k(%arg0: i32, %arg1: i32, %arg2: memref<32768xi32, #tpu.memory_space<hbm>>, %arg3: memref<49152x1024xf32, #tpu.memory_space<hbm>>, %arg4: memref<32768x1024xf32, #tpu.memory_space<hbm>>, %arg5: memref<64xi32, #tpu.memory_space<vmem>>, %arg6: memref<64x1024xf32, #tpu.memory_space<vmem>>, %arg7: memref<!tpu.dma_semaphore, #tpu.memory_space<semaphore_mem>>) attributes {dimension_semantics = [#tpu.dimension_semantics<core_parallel>, #tpu.dimension_semantics<subcore_parallel>], iteration_bounds = array<i64: 2, 16>, scalar_prefetch = 0 : i64, scratch_operands = 3 : i64, tpu.core_type = #tpu.core_type<sc_vector_subcore>, window_params = [{transform_indices = #map}, {transform_indices = #map1}, {transform_indices = #map1}]} {
    %mul3A = arith.constant 2 : i32
    %mul3A_0 = arith.muli %arg1, %mul3A : i32
    %add3A = arith.addi %mul3A_0, %arg0 : i32
    %mul3A_1 = arith.constant 1024 : i32
    %mul3A_2 = arith.muli %add3A, %mul3A_1 : i32
    %scan3A = arith.constant 0 : i32
    %scan3A_3 = arith.constant 0 : i32
    %scan3A_4 = arith.constant 16 : i32
    %scan3A_5 = arith.addi %scan3A_3, %scan3A_4 : i32
    %scan3A_6 = arith.constant 1 : i32
    scf.for %scan3A_8 = %scan3A_3 to %scan3A_5 step %scan3A_6  : i32 {
      %mul3A_9 = arith.constant 64 : i32
      %mul3A_10 = arith.muli %scan3A_8, %mul3A_9 : i32
      %add3A_11 = arith.addi %mul3A_2, %mul3A_10 : i32
      "tpu.region"() ({
        %run_scoped3A = tpu.sem_alloc : memref<!tpu.dma_semaphore, #tpu.memory_space<semaphore_mem>>
        %dma_start3A_16 = tpu.memref_slice %arg2[%add3A_11] : memref<32768xi32, #tpu.memory_space<hbm>> -> memref<64xi32, #tpu.memory_space<hbm>>
        %dma_start3A_17 = tpu.memref_slice %arg2[%add3A_11] : memref<32768xi32, #tpu.memory_space<hbm>> -> memref<64xi32, #tpu.memory_space<hbm>>
        tpu.enqueue_dma source(%dma_start3A_17 : memref<64xi32, #tpu.memory_space<hbm>>) target(%arg5 : memref<64xi32, #tpu.memory_space<vmem>>) target_semaphore(%run_scoped3A : memref<!tpu.dma_semaphore, #tpu.memory_space<semaphore_mem>>)
        %dma_wait3A_18 = tpu.memref_slice %arg2[%add3A_11] : memref<32768xi32, #tpu.memory_space<hbm>> -> memref<64xi32, #tpu.memory_space<hbm>>
        %dma_wait3A_19 = tpu.memref_slice %arg2[%add3A_11] : memref<32768xi32, #tpu.memory_space<hbm>> -> memref<64xi32, #tpu.memory_space<hbm>>
        tpu.wait_dma2 semaphore(%run_scoped3A : memref<!tpu.dma_semaphore, #tpu.memory_space<semaphore_mem>>) src(%dma_wait3A_19 : memref<64xi32, #tpu.memory_space<hbm>>) dst(%arg5 : memref<64xi32, #tpu.memory_space<vmem>>)
        tpu.yield
      }) : () -> ()
      %dma_start3A = arith.constant 0 : i32
      %dma_start3A_12 = arith.constant 0 : i32
      %dma_start3A_13 = tpu.memref_slice %arg3[%dma_start3A, %dma_start3A_12] : memref<49152x1024xf32, #tpu.memory_space<hbm>> -> memref<49152x1024xf32, #tpu.memory_space<hbm>>
      tpu.enqueue_indirect_dma source(%dma_start3A_13 : memref<49152x1024xf32, #tpu.memory_space<hbm>>) target(%arg6 : memref<64x1024xf32, #tpu.memory_space<vmem>>) offsets(%arg5 : memref<64xi32, #tpu.memory_space<vmem>>) semaphore(%arg7 : memref<!tpu.dma_semaphore, #tpu.memory_space<semaphore_mem>>)
      %dma_wait3A = arith.constant 0 : i32
      %dma_wait3A_14 = arith.constant 0 : i32
      %dma_wait3A_15 = tpu.memref_slice %arg3[%dma_wait3A, %dma_wait3A_14] : memref<49152x1024xf32, #tpu.memory_space<hbm>> -> memref<49152x1024xf32, #tpu.memory_space<hbm>>
      tpu.wait_indirect_dma semaphore(%arg7 : memref<!tpu.dma_semaphore, #tpu.memory_space<semaphore_mem>>) src(%dma_wait3A_15 : memref<49152x1024xf32, #tpu.memory_space<hbm>>) dst(%arg6 : memref<64x1024xf32, #tpu.memory_space<vmem>>)
      "tpu.region"() ({
        %run_scoped3A = tpu.sem_alloc : memref<!tpu.dma_semaphore, #tpu.memory_space<semaphore_mem>>
        %dma_start3A_16 = arith.constant 0 : i32
        %dma_start3A_17 = tpu.memref_slice %arg4[%add3A_11, %dma_start3A_16] : memref<32768x1024xf32, #tpu.memory_space<hbm>> -> memref<64x1024xf32, #tpu.memory_space<hbm>>
        %dma_start3A_18 = arith.constant 0 : i32
        %dma_start3A_19 = tpu.memref_slice %arg4[%add3A_11, %dma_start3A_18] : memref<32768x1024xf32, #tpu.memory_space<hbm>> -> memref<64x1024xf32, #tpu.memory_space<hbm>>
        tpu.enqueue_dma source(%arg6 : memref<64x1024xf32, #tpu.memory_space<vmem>>) target(%dma_start3A_19 : memref<64x1024xf32, #tpu.memory_space<hbm>>) target_semaphore(%run_scoped3A : memref<!tpu.dma_semaphore, #tpu.memory_space<semaphore_mem>>)
        %dma_wait3A_20 = arith.constant 0 : i32
        %dma_wait3A_21 = tpu.memref_slice %arg4[%add3A_11, %dma_wait3A_20] : memref<32768x1024xf32, #tpu.memory_space<hbm>> -> memref<64x1024xf32, #tpu.memory_space<hbm>>
        %dma_wait3A_22 = arith.constant 0 : i32
        %dma_wait3A_23 = tpu.memref_slice %arg4[%add3A_11, %dma_wait3A_22] : memref<32768x1024xf32, #tpu.memory_space<hbm>> -> memref<64x1024xf32, #tpu.memory_space<hbm>>
        tpu.wait_dma2 semaphore(%run_scoped3A : memref<!tpu.dma_semaphore, #tpu.memory_space<semaphore_mem>>) src(%arg6 : memref<64x1024xf32, #tpu.memory_space<vmem>>) dst(%dma_wait3A_23 : memref<64x1024xf32, #tpu.memory_space<hbm>>)
        tpu.yield
      }) : () -> ()
    }
    %scan3A_7 = arith.constant 16 : i32
    return
  }
}

#map = affine_map<(d0, d1) -> (0)>
#map1 = affine_map<(d0, d1) -> (0, 0)>
module attributes {stable_mosaic.version = 14 : i64} {
  func.func @k(%arg0: i32, %arg1: i32, %arg2: memref<32768xi32, #tpu.memory_space<hbm>>, %arg3: memref<32768xi32, #tpu.memory_space<hbm>>, %arg4: memref<16384x1024xf32, #tpu.memory_space<hbm>>, %arg5: memref<49152x1024xf32, #tpu.memory_space<hbm>>, %arg6: memref<64xi32, #tpu.memory_space<vmem>>, %arg7: memref<64xi32, #tpu.memory_space<vmem>>, %arg8: memref<64x1024xf32, #tpu.memory_space<vmem>>, %arg9: memref<!tpu.dma_semaphore, #tpu.memory_space<semaphore_mem>>) attributes {dimension_semantics = [#tpu.dimension_semantics<core_parallel>, #tpu.dimension_semantics<subcore_parallel>], iteration_bounds = array<i64: 2, 16>, scalar_prefetch = 0 : i64, scratch_operands = 4 : i64, tpu.core_type = #tpu.core_type<sc_vector_subcore>, window_params = [{transform_indices = #map}, {transform_indices = #map}, {transform_indices = #map1}, {transform_indices = #map1}]} {
    %mul3A = arith.constant 2 : i32
    %mul3A_0 = arith.muli %arg1, %mul3A : i32
    %add3A = arith.addi %mul3A_0, %arg0 : i32
    %mul3A_1 = arith.constant 1024 : i32
    %mul3A_2 = arith.muli %add3A, %mul3A_1 : i32
    %scan3A = arith.constant 0 : i32
    %scan3A_3 = arith.constant 0 : i32
    %scan3A_4 = arith.constant 16 : i32
    %scan3A_5 = arith.addi %scan3A_3, %scan3A_4 : i32
    %scan3A_6 = arith.constant 1 : i32
    scf.for %scan3A_8 = %scan3A_3 to %scan3A_5 step %scan3A_6  : i32 {
      %mul3A_9 = arith.constant 64 : i32
      %mul3A_10 = arith.muli %scan3A_8, %mul3A_9 : i32
      %add3A_11 = arith.addi %mul3A_2, %mul3A_10 : i32
      "tpu.region"() ({
        %run_scoped3A = tpu.sem_alloc : memref<!tpu.dma_semaphore, #tpu.memory_space<semaphore_mem>>
        %dma_start3A_22 = tpu.memref_slice %arg2[%add3A_11] : memref<32768xi32, #tpu.memory_space<hbm>> -> memref<64xi32, #tpu.memory_space<hbm>>
        %dma_start3A_23 = tpu.memref_slice %arg2[%add3A_11] : memref<32768xi32, #tpu.memory_space<hbm>> -> memref<64xi32, #tpu.memory_space<hbm>>
        tpu.enqueue_dma source(%dma_start3A_23 : memref<64xi32, #tpu.memory_space<hbm>>) target(%arg6 : memref<64xi32, #tpu.memory_space<vmem>>) target_semaphore(%run_scoped3A : memref<!tpu.dma_semaphore, #tpu.memory_space<semaphore_mem>>)
        %dma_wait3A_24 = tpu.memref_slice %arg2[%add3A_11] : memref<32768xi32, #tpu.memory_space<hbm>> -> memref<64xi32, #tpu.memory_space<hbm>>
        %dma_wait3A_25 = tpu.memref_slice %arg2[%add3A_11] : memref<32768xi32, #tpu.memory_space<hbm>> -> memref<64xi32, #tpu.memory_space<hbm>>
        tpu.wait_dma2 semaphore(%run_scoped3A : memref<!tpu.dma_semaphore, #tpu.memory_space<semaphore_mem>>) src(%dma_wait3A_25 : memref<64xi32, #tpu.memory_space<hbm>>) dst(%arg6 : memref<64xi32, #tpu.memory_space<vmem>>)
        tpu.yield
      }) : () -> ()
      "tpu.region"() ({
        %run_scoped3A = tpu.sem_alloc : memref<!tpu.dma_semaphore, #tpu.memory_space<semaphore_mem>>
        %dma_start3A_22 = tpu.memref_slice %arg3[%add3A_11] : memref<32768xi32, #tpu.memory_space<hbm>> -> memref<64xi32, #tpu.memory_space<hbm>>
        %dma_start3A_23 = tpu.memref_slice %arg3[%add3A_11] : memref<32768xi32, #tpu.memory_space<hbm>> -> memref<64xi32, #tpu.memory_space<hbm>>
        tpu.enqueue_dma source(%dma_start3A_23 : memref<64xi32, #tpu.memory_space<hbm>>) target(%arg7 : memref<64xi32, #tpu.memory_space<vmem>>) target_semaphore(%run_scoped3A : memref<!tpu.dma_semaphore, #tpu.memory_space<semaphore_mem>>)
        %dma_wait3A_24 = tpu.memref_slice %arg3[%add3A_11] : memref<32768xi32, #tpu.memory_space<hbm>> -> memref<64xi32, #tpu.memory_space<hbm>>
        %dma_wait3A_25 = tpu.memref_slice %arg3[%add3A_11] : memref<32768xi32, #tpu.memory_space<hbm>> -> memref<64xi32, #tpu.memory_space<hbm>>
        tpu.wait_dma2 semaphore(%run_scoped3A : memref<!tpu.dma_semaphore, #tpu.memory_space<semaphore_mem>>) src(%dma_wait3A_25 : memref<64xi32, #tpu.memory_space<hbm>>) dst(%arg7 : memref<64xi32, #tpu.memory_space<vmem>>)
        tpu.yield
      }) : () -> ()
      %dma_start3A = arith.constant 0 : i32
      %dma_start3A_12 = arith.constant 0 : i32
      %dma_start3A_13 = tpu.memref_slice %arg4[%dma_start3A, %dma_start3A_12] : memref<16384x1024xf32, #tpu.memory_space<hbm>> -> memref<16384x1024xf32, #tpu.memory_space<hbm>>
      tpu.enqueue_indirect_dma source(%dma_start3A_13 : memref<16384x1024xf32, #tpu.memory_space<hbm>>) target(%arg8 : memref<64x1024xf32, #tpu.memory_space<vmem>>) offsets(%arg6 : memref<64xi32, #tpu.memory_space<vmem>>) semaphore(%arg9 : memref<!tpu.dma_semaphore, #tpu.memory_space<semaphore_mem>>)
      %dma_wait3A = arith.constant 0 : i32
      %dma_wait3A_14 = arith.constant 0 : i32
      %dma_wait3A_15 = tpu.memref_slice %arg4[%dma_wait3A, %dma_wait3A_14] : memref<16384x1024xf32, #tpu.memory_space<hbm>> -> memref<16384x1024xf32, #tpu.memory_space<hbm>>
      tpu.wait_indirect_dma semaphore(%arg9 : memref<!tpu.dma_semaphore, #tpu.memory_space<semaphore_mem>>) src(%dma_wait3A_15 : memref<16384x1024xf32, #tpu.memory_space<hbm>>) dst(%arg8 : memref<64x1024xf32, #tpu.memory_space<vmem>>)
      %dma_start3A_16 = arith.constant 0 : i32
      %dma_start3A_17 = arith.constant 0 : i32
      %dma_start3A_18 = tpu.memref_slice %arg5[%dma_start3A_16, %dma_start3A_17] : memref<49152x1024xf32, #tpu.memory_space<hbm>> -> memref<49152x1024xf32, #tpu.memory_space<hbm>>
      tpu.enqueue_indirect_dma source(%arg8 : memref<64x1024xf32, #tpu.memory_space<vmem>>) target(%dma_start3A_18 : memref<49152x1024xf32, #tpu.memory_space<hbm>>) offsets(%arg7 : memref<64xi32, #tpu.memory_space<vmem>>) semaphore(%arg9 : memref<!tpu.dma_semaphore, #tpu.memory_space<semaphore_mem>>)
      %dma_wait3A_19 = arith.constant 0 : i32
      %dma_wait3A_20 = arith.constant 0 : i32
      %dma_wait3A_21 = tpu.memref_slice %arg5[%dma_wait3A_19, %dma_wait3A_20] : memref<49152x1024xf32, #tpu.memory_space<hbm>> -> memref<49152x1024xf32, #tpu.memory_space<hbm>>
      tpu.wait_indirect_dma semaphore(%arg9 : memref<!tpu.dma_semaphore, #tpu.memory_space<semaphore_mem>>) src(%arg8 : memref<64x1024xf32, #tpu.memory_space<vmem>>) dst(%dma_wait3A_21 : memref<49152x1024xf32, #tpu.memory_space<hbm>>)
    }
    %scan3A_7 = arith.constant 16 : i32
    return
  }
}

module attributes {stable_mosaic.version = 14 : i64} {
  func.func @_router_body(%arg0: i32, %arg1: memref<2048x1024xf32, #tpu.memory_space<vmem>>, %arg2: memref<1024x64xf32, #tpu.memory_space<vmem>>, %arg3: memref<1x64xf32, #tpu.memory_space<vmem>>, %arg4: memref<2048x2xf32, #tpu.memory_space<vmem>>, %arg5: memref<2048x2xi32, #tpu.memory_space<vmem>>) attributes {dimension_semantics = [#tpu.dimension_semantics<arbitrary>], iteration_bounds = array<i64: 8>, scalar_prefetch = 0 : i64, scratch_operands = 0 : i64, tpu.core_type = #tpu.core_type<tc>, window_params = [{transform_indices = @transform_0, window_bounds = array<i64: 2048, 1024>}, {pipeline_mode = #tpu.pipeline_mode<synchronous>, transform_indices = @transform_1, window_bounds = array<i64: 1024, 64>}, {pipeline_mode = #tpu.pipeline_mode<synchronous>, transform_indices = @transform_2, window_bounds = array<i64: 1, 64>}, {transform_indices = @transform_3, window_bounds = array<i64: 2048, 2>}, {transform_indices = @transform_4, window_bounds = array<i64: 2048, 2>}]} {
    %get3A = arith.constant 0 : index
    %get3A_0 = arith.constant 0 : index
    %get3A_1 = vector.load %arg1[%get3A, %get3A_0] : memref<2048x1024xf32, #tpu.memory_space<vmem>>, vector<2048x1024xf32>
    %get3A_2 = arith.constant 0 : index
    %get3A_3 = arith.constant 0 : index
    %get3A_4 = vector.load %arg2[%get3A_2, %get3A_3] : memref<1024x64xf32, #tpu.memory_space<vmem>>, vector<1024x64xf32>
    %dot_general3A = arith.constant dense<0.000000e+00> : vector<2048x64xf32>
    %dot_general3A_5 = tpu.matmul %get3A_1, %get3A_4, %dot_general3A {dimension_numbers = #tpu.dot_dimension_numbers<[1], [0], [0], [1], [0, 0, 1, 1], [], []>, transpose_lhs_hint = false} : vector<2048x1024xf32>, vector<1024x64xf32>, vector<2048x64xf32> -> vector<2048x64xf32>
    %get3A_6 = arith.constant 0 : index
    %get3A_7 = arith.constant 0 : index
    %get3A_8 = vector.load %arg3[%get3A_6, %get3A_7] : memref<1x64xf32, #tpu.memory_space<vmem>>, vector<1x64xf32>
    %add3A = vector.broadcast %get3A_8 : vector<1x64xf32> to vector<2048x64xf32>
    %add3A_9 = arith.addf %dot_general3A_5, %add3A : vector<2048x64xf32>
    %reduce_max3A = arith.constant dense<0xFF800000> : vector<2048xf32>
    %reduce_max3A_10 = vector.multi_reduction <maximumf>, %add3A_9, %reduce_max3A [1] : vector<2048x64xf32> to vector<2048xf32>
    %broadcast_in_dim3A = vector.shape_cast %reduce_max3A_10 : vector<2048xf32> to vector<2048x1xf32>
    %sub3A = vector.broadcast %broadcast_in_dim3A : vector<2048x1xf32> to vector<2048x64xf32>
    %sub3A_11 = arith.subf %add3A_9, %sub3A : vector<2048x64xf32>
    %exp3A = math.exp %sub3A_11 : vector<2048x64xf32>
    %reduce_sum3A = arith.constant dense<0.000000e+00> : vector<2048xf32>
    %reduce_sum3A_12 = vector.multi_reduction <add>, %exp3A, %reduce_sum3A [1] : vector<2048x64xf32> to vector<2048xf32>
    %broadcast_in_dim3A_13 = vector.shape_cast %reduce_sum3A_12 : vector<2048xf32> to vector<2048x1xf32>
    %div3A = vector.broadcast %broadcast_in_dim3A_13 : vector<2048x1xf32> to vector<2048x64xf32>
    %div3A_14 = arith.divf %exp3A, %div3A : vector<2048x64xf32>
    %iota3A = tpu.iota {dimensions = array<i32: 1>} : vector<2048x64xi32>
    %reduce_max3A_15 = arith.constant dense<0xFF800000> : vector<2048xf32>
    %reduce_max3A_16 = vector.multi_reduction <maximumf>, %div3A_14, %reduce_max3A_15 [1] : vector<2048x64xf32> to vector<2048xf32>
    %broadcast_in_dim3A_17 = vector.shape_cast %reduce_max3A_16 : vector<2048xf32> to vector<2048x1xf32>
    %eq3A = vector.broadcast %broadcast_in_dim3A_17 : vector<2048x1xf32> to vector<2048x64xf32>
    %eq3A_18 = arith.cmpf oeq, %div3A_14, %eq3A : vector<2048x64xf32>
    %jit3A = arith.constant 64 : i32
    %broadcast_in_dim3A_19 = vector.broadcast %jit3A : i32 to vector<2048x64xi32>
    %select_n3A = arith.select %eq3A_18, %iota3A, %broadcast_in_dim3A_19 : vector<2048x64xi1>, vector<2048x64xi32>
    %reduce_min3A = arith.constant dense<2147483647> : vector<2048xi32>
    %reduce_min3A_20 = vector.multi_reduction <minsi>, %select_n3A, %reduce_min3A [1] : vector<2048x64xi32> to vector<2048xi32>
    %broadcast_in_dim3A_21 = vector.shape_cast %reduce_min3A_20 : vector<2048xi32> to vector<2048x1xi32>
    %eq3A_22 = vector.broadcast %broadcast_in_dim3A_21 : vector<2048x1xi32> to vector<2048x64xi32>
    %eq3A_23 = arith.cmpi eq, %iota3A, %eq3A_22 : vector<2048x64xi32>
    %jit3A_24 = arith.constant 0xFF800000 : f32
    %broadcast_in_dim3A_25 = vector.broadcast %jit3A_24 : f32 to vector<2048x64xf32>
    %select_n3A_26 = arith.select %eq3A_23, %broadcast_in_dim3A_25, %div3A_14 : vector<2048x64xi1>, vector<2048x64xf32>
    %reduce_max3A_27 = arith.constant dense<0xFF800000> : vector<2048xf32>
    %reduce_max3A_28 = vector.multi_reduction <maximumf>, %select_n3A_26, %reduce_max3A_27 [1] : vector<2048x64xf32> to vector<2048xf32>
    %broadcast_in_dim3A_29 = vector.shape_cast %reduce_max3A_28 : vector<2048xf32> to vector<2048x1xf32>
    %eq3A_30 = vector.broadcast %broadcast_in_dim3A_29 : vector<2048x1xf32> to vector<2048x64xf32>
    %eq3A_31 = arith.cmpf oeq, %select_n3A_26, %eq3A_30 : vector<2048x64xf32>
    %jit3A_32 = arith.constant 64 : i32
    %broadcast_in_dim3A_33 = vector.broadcast %jit3A_32 : i32 to vector<2048x64xi32>
    %select_n3A_34 = arith.select %eq3A_31, %iota3A, %broadcast_in_dim3A_33 : vector<2048x64xi1>, vector<2048x64xi32>
    %reduce_min3A_35 = arith.constant dense<2147483647> : vector<2048xi32>
    %reduce_min3A_36 = vector.multi_reduction <minsi>, %select_n3A_34, %reduce_min3A_35 [1] : vector<2048x64xi32> to vector<2048xi32>
    %broadcast_in_dim3A_37 = vector.shape_cast %reduce_min3A_36 : vector<2048xi32> to vector<2048x1xi32>
    %concatenate3A = tpu.concatenate %broadcast_in_dim3A_17, %broadcast_in_dim3A_29 in 1 : vector<2048x1xf32>, vector<2048x1xf32> -> vector<2048x2xf32>
    %swap3A = arith.constant 0 : index
    %swap3A_38 = arith.constant 0 : index
    %swap3A_39 = vector.load %arg4[%swap3A, %swap3A_38] : memref<2048x2xf32, #tpu.memory_space<vmem>>, vector<2048x2xf32>
    tpu.vector_store %arg4[%swap3A, %swap3A_38], %concatenate3A {strides = array<i32>} : memref<2048x2xf32, #tpu.memory_space<vmem>>, vector<2048x2xf32>,
    %concatenate3A_40 = tpu.concatenate %broadcast_in_dim3A_21, %broadcast_in_dim3A_37 in 1 : vector<2048x1xi32>, vector<2048x1xi32> -> vector<2048x2xi32>
    %swap3A_41 = arith.constant 0 : index
    %swap3A_42 = arith.constant 0 : index
    %swap3A_43 = vector.load %arg5[%swap3A_41, %swap3A_42] : memref<2048x2xi32, #tpu.memory_space<vmem>>, vector<2048x2xi32>
    tpu.vector_store %arg5[%swap3A_41, %swap3A_42], %concatenate3A_40 {strides = array<i32>} : memref<2048x2xi32, #tpu.memory_space<vmem>>, vector<2048x2xi32>,
    return
  }
  func.func @transform_0(%arg0: i32) -> (i32, i32) {
    %c0_i32 = arith.constant 0 : i32
    %c0_i32_0 = arith.constant 0 : i32
    return %arg0, %c0_i32 : i32, i32
  }
  func.func @transform_1(%arg0: i32) -> (i32, i32) {
    %c0_i32 = arith.constant 0 : i32
    %c0_i32_0 = arith.constant 0 : i32
    %c0_i32_1 = arith.constant 0 : i32
    return %c0_i32, %c0_i32_0 : i32, i32
  }
  func.func @transform_2(%arg0: i32) -> (i32, i32) {
    %c0_i32 = arith.constant 0 : i32
    %c0_i32_0 = arith.constant 0 : i32
    %c0_i32_1 = arith.constant 0 : i32
    return %c0_i32, %c0_i32_0 : i32, i32
  }
  func.func @transform_3(%arg0: i32) -> (i32, i32) {
    %c0_i32 = arith.constant 0 : i32
    %c0_i32_0 = arith.constant 0 : i32
    return %arg0, %c0_i32 : i32, i32
  }
  func.func @transform_4(%arg0: i32) -> (i32, i32) {
    %c0_i32 = arith.constant 0 : i32
    %c0_i32_0 = arith.constant 0 : i32
    return %arg0, %c0_i32 : i32, i32
  }
}

module attributes {stable_mosaic.version = 14 : i64} {
  func.func @_ffn_body(%arg0: i32, %arg1: memref<192xi32, #tpu.memory_space<smem>>, %arg2: memref<256x1024xf32, #tpu.memory_space<vmem>>, %arg3: memref<1x1024x1024xf32, #tpu.memory_space<vmem>>, %arg4: memref<1x1x1024xf32, #tpu.memory_space<vmem>>, %arg5: memref<1x1024x1024xf32, #tpu.memory_space<vmem>>, %arg6: memref<1x1x1024xf32, #tpu.memory_space<vmem>>, %arg7: memref<256x1024xf32, #tpu.memory_space<vmem>>) attributes {dimension_semantics = [#tpu.dimension_semantics<arbitrary>], iteration_bounds = array<i64: 192>, scalar_prefetch = 1 : i64, scratch_operands = 0 : i64, tpu.core_type = #tpu.core_type<tc>, window_params = [{transform_indices = @transform_0, window_bounds = array<i64: 256, 1024>}, {transform_indices = @transform_1, window_bounds = array<i64: 1, 1024, 1024>}, {transform_indices = @transform_2, window_bounds = array<i64: 1, 1, 1024>}, {transform_indices = @transform_3, window_bounds = array<i64: 1, 1024, 1024>}, {transform_indices = @transform_4, window_bounds = array<i64: 1, 1, 1024>}, {transform_indices = @transform_5, window_bounds = array<i64: 256, 1024>}]} {
    %get3A = arith.constant 0 : index
    %get3A_0 = arith.constant 0 : index
    %get3A_1 = vector.load %arg2[%get3A, %get3A_0] : memref<256x1024xf32, #tpu.memory_space<vmem>>, vector<256x1024xf32>
    %get3A_2 = arith.constant 0 : index
    %get3A_3 = arith.constant 0 : index
    %get3A_4 = arith.constant 0 : index
    %get3A_5 = vector.load %arg3[%get3A_2, %get3A_3, %get3A_4] : memref<1x1024x1024xf32, #tpu.memory_space<vmem>>, vector<1x1024x1024xf32>
    %get3A_6 = vector.shape_cast %get3A_5 : vector<1x1024x1024xf32> to vector<1024x1024xf32>
    %dot_general3A = arith.constant dense<0.000000e+00> : vector<256x1024xf32>
    %dot_general3A_7 = tpu.matmul %get3A_1, %get3A_6, %dot_general3A {dimension_numbers = #tpu.dot_dimension_numbers<[1], [0], [0], [1], [0, 0, 1, 1], [], []>, transpose_lhs_hint = false} : vector<256x1024xf32>, vector<1024x1024xf32>, vector<256x1024xf32> -> vector<256x1024xf32>
    %get3A_8 = arith.constant 0 : index
    %get3A_9 = arith.constant 0 : index
    %get3A_10 = arith.constant 0 : index
    %get3A_11 = vector.load %arg4[%get3A_8, %get3A_9, %get3A_10] : memref<1x1x1024xf32, #tpu.memory_space<vmem>>, vector<1x1x1024xf32>
    %get3A_12 = vector.shape_cast %get3A_11 : vector<1x1x1024xf32> to vector<1x1024xf32>
    %add3A = vector.broadcast %get3A_12 : vector<1x1024xf32> to vector<256x1024xf32>
    %add3A_13 = arith.addf %dot_general3A_7, %add3A : vector<256x1024xf32>
    %max3A = arith.constant 0.000000e+00 : f32
    %max3A_14 = vector.broadcast %max3A : f32 to vector<256x1024xf32>
    %max3A_15 = arith.maximumf %add3A_13, %max3A_14 : vector<256x1024xf32>
    %get3A_16 = arith.constant 0 : index
    %get3A_17 = arith.constant 0 : index
    %get3A_18 = arith.constant 0 : index
    %get3A_19 = vector.load %arg5[%get3A_16, %get3A_17, %get3A_18] : memref<1x1024x1024xf32, #tpu.memory_space<vmem>>, vector<1x1024x1024xf32>
    %get3A_20 = vector.shape_cast %get3A_19 : vector<1x1024x1024xf32> to vector<1024x1024xf32>
    %dot_general3A_21 = arith.constant dense<0.000000e+00> : vector<256x1024xf32>
    %dot_general3A_22 = tpu.matmul %max3A_15, %get3A_20, %dot_general3A_21 {dimension_numbers = #tpu.dot_dimension_numbers<[1], [0], [0], [1], [0, 0, 1, 1], [], []>, transpose_lhs_hint = false} : vector<256x1024xf32>, vector<1024x1024xf32>, vector<256x1024xf32> -> vector<256x1024xf32>
    %get3A_23 = arith.constant 0 : index
    %get3A_24 = arith.constant 0 : index
    %get3A_25 = arith.constant 0 : index
    %get3A_26 = vector.load %arg6[%get3A_23, %get3A_24, %get3A_25] : memref<1x1x1024xf32, #tpu.memory_space<vmem>>, vector<1x1x1024xf32>
    %get3A_27 = vector.shape_cast %get3A_26 : vector<1x1x1024xf32> to vector<1x1024xf32>
    %add3A_28 = vector.broadcast %get3A_27 : vector<1x1024xf32> to vector<256x1024xf32>
    %add3A_29 = arith.addf %dot_general3A_22, %add3A_28 : vector<256x1024xf32>
    %swap3A = arith.constant 0 : index
    %swap3A_30 = arith.constant 0 : index
    %swap3A_31 = vector.load %arg7[%swap3A, %swap3A_30] : memref<256x1024xf32, #tpu.memory_space<vmem>>, vector<256x1024xf32>
    tpu.vector_store %arg7[%swap3A, %swap3A_30], %add3A_29 {strides = array<i32>} : memref<256x1024xf32, #tpu.memory_space<vmem>>, vector<256x1024xf32>,
    return
  }
  func.func @transform_0(%arg0: i32, %arg1: memref<192xi32, #tpu.memory_space<smem>>) -> (i32, i32) {
    %c0_i32 = arith.constant 0 : i32
    %c0_i32_0 = arith.constant 0 : i32
    return %arg0, %c0_i32 : i32, i32
  }
  func.func @transform_1(%arg0: i32, %arg1: memref<192xi32, #tpu.memory_space<smem>>) -> (i32, i32, i32) {
    %get3A = arith.index_cast %arg0 : i32 to index
    %get3A_0 = memref.load %arg1[%get3A] : memref<192xi32, #tpu.memory_space<smem>>
    %c0_i32 = arith.constant 0 : i32
    %c0_i32_1 = arith.constant 0 : i32
    %c0_i32_2 = arith.constant 0 : i32
    return %get3A_0, %c0_i32, %c0_i32_1 : i32, i32, i32
  }
  func.func @transform_2(%arg0: i32, %arg1: memref<192xi32, #tpu.memory_space<smem>>) -> (i32, i32, i32) {
    %get3A = arith.index_cast %arg0 : i32 to index
    %get3A_0 = memref.load %arg1[%get3A] : memref<192xi32, #tpu.memory_space<smem>>
    %c0_i32 = arith.constant 0 : i32
    %c0_i32_1 = arith.constant 0 : i32
    %c0_i32_2 = arith.constant 0 : i32
    return %get3A_0, %c0_i32, %c0_i32_1 : i32, i32, i32
  }
  func.func @transform_3(%arg0: i32, %arg1: memref<192xi32, #tpu.memory_space<smem>>) -> (i32, i32, i32) {
    %get3A = arith.index_cast %arg0 : i32 to index
    %get3A_0 = memref.load %arg1[%get3A] : memref<192xi32, #tpu.memory_space<smem>>
    %c0_i32 = arith.constant 0 : i32
    %c0_i32_1 = arith.constant 0 : i32
    %c0_i32_2 = arith.constant 0 : i32
    return %get3A_0, %c0_i32, %c0_i32_1 : i32, i32, i32
  }
  func.func @transform_4(%arg0: i32, %arg1: memref<192xi32, #tpu.memory_space<smem>>) -> (i32, i32, i32) {
    %get3A = arith.index_cast %arg0 : i32 to index
    %get3A_0 = memref.load %arg1[%get3A] : memref<192xi32, #tpu.memory_space<smem>>
    %c0_i32 = arith.constant 0 : i32
    %c0_i32_1 = arith.constant 0 : i32
    %c0_i32_2 = arith.constant 0 : i32
    return %get3A_0, %c0_i32, %c0_i32_1 : i32, i32, i32
  }
  func.func @transform_5(%arg0: i32, %arg1: memref<192xi32, #tpu.memory_space<smem>>) -> (i32, i32) {
    %c0_i32 = arith.constant 0 : i32
    %c0_i32_0 = arith.constant 0 : i32
    return %arg0, %c0_i32 : i32, i32
  }
}

module attributes {stable_mosaic.version = 14 : i64} {
  func.func @_combine_body(%arg0: i32, %arg1: memref<1024x2x1024xf32, #tpu.memory_space<vmem>>, %arg2: memref<1024x2xf32, #tpu.memory_space<vmem>>, %arg3: memref<1024x1024xf32, #tpu.memory_space<vmem>>) attributes {dimension_semantics = [#tpu.dimension_semantics<arbitrary>], iteration_bounds = array<i64: 16>, scalar_prefetch = 0 : i64, scratch_operands = 0 : i64, tpu.core_type = #tpu.core_type<tc>, window_params = [{transform_indices = @transform_0, window_bounds = array<i64: 1024, 2, 1024>}, {transform_indices = @transform_1, window_bounds = array<i64: 1024, 2>}, {transform_indices = @transform_2, window_bounds = array<i64: 1024, 1024>}]} {
    %get3A = arith.constant 0 : index
    %get3A_0 = arith.constant 0 : index
    %get3A_1 = arith.constant 0 : index
    %get3A_2 = vector.load %arg1[%get3A, %get3A_0, %get3A_1] : memref<1024x2x1024xf32, #tpu.memory_space<vmem>>, vector<1024x1x1024xf32>
    %get3A_3 = vector.shape_cast %get3A_2 : vector<1024x1x1024xf32> to vector<1024x1024xf32>
    %get3A_4 = arith.constant 0 : index
    %get3A_5 = arith.constant 1 : index
    %get3A_6 = arith.constant 0 : index
    %get3A_7 = vector.load %arg1[%get3A_4, %get3A_5, %get3A_6] : memref<1024x2x1024xf32, #tpu.memory_space<vmem>>, vector<1024x1x1024xf32>
    %get3A_8 = vector.shape_cast %get3A_7 : vector<1024x1x1024xf32> to vector<1024x1024xf32>
    %get3A_9 = arith.constant 0 : index
    %get3A_10 = arith.constant 0 : index
    %get3A_11 = vector.load %arg2[%get3A_9, %get3A_10] : memref<1024x2xf32, #tpu.memory_space<vmem>>, vector<1024x1xf32>
    %mul3A = vector.broadcast %get3A_11 : vector<1024x1xf32> to vector<1024x1024xf32>
    %mul3A_12 = arith.mulf %mul3A, %get3A_3 : vector<1024x1024xf32>
    %get3A_13 = arith.constant 0 : index
    %get3A_14 = arith.constant 1 : index
    %get3A_15 = vector.load %arg2[%get3A_13, %get3A_14] : memref<1024x2xf32, #tpu.memory_space<vmem>>, vector<1024x1xf32>
    %mul3A_16 = vector.broadcast %get3A_15 : vector<1024x1xf32> to vector<1024x1024xf32>
    %mul3A_17 = arith.mulf %mul3A_16, %get3A_8 : vector<1024x1024xf32>
    %add3A = arith.addf %mul3A_12, %mul3A_17 : vector<1024x1024xf32>
    %swap3A = arith.constant 0 : index
    %swap3A_18 = arith.constant 0 : index
    %swap3A_19 = vector.load %arg3[%swap3A, %swap3A_18] : memref<1024x1024xf32, #tpu.memory_space<vmem>>, vector<1024x1024xf32>
    tpu.vector_store %arg3[%swap3A, %swap3A_18], %add3A {strides = array<i32>} : memref<1024x1024xf32, #tpu.memory_space<vmem>>, vector<1024x1024xf32>,
    return
  }
  func.func @transform_0(%arg0: i32) -> (i32, i32, i32) {
    %c0_i32 = arith.constant 0 : i32
    %c0_i32_0 = arith.constant 0 : i32
    %c0_i32_1 = arith.constant 0 : i32
    return %arg0, %c0_i32, %c0_i32_0 : i32, i32, i32
  }
  func.func @transform_1(%arg0: i32) -> (i32, i32) {
    %c0_i32 = arith.constant 0 : i32
    %c0_i32_0 = arith.constant 0 : i32
    return %arg0, %c0_i32 : i32, i32
  }
  func.func @transform_2(%arg0: i32) -> (i32, i32) {
    %c0_i32 = arith.constant 0 : i32
    %c0_i32_0 = arith.constant 0 : i32
    return %arg0, %c0_i32 : i32, i32
  }
}

</mosaic_0001>

<sc_bundles>
// kernel: gather_offload_async_start
scs
__scs_entry_jumppad:
0x0: {  	(pc) =	sbr.rel $0x88, $3  }
0x1: {  	(tag) =	ssettag $0x0;
	lr =	simm.s32 $0x1  }
0x2: {  	[smem:$0x3F9A] =	sst lr;
	_ =	strace $0xD0000000  }
0x3: {  	_ = 	snop  }
0x4: {  	_ = 	snop  }
0x5: {  	_ = 	snop  }
0x6: {  	_ = 	snop  }
0x7: {  	_ = 	snop  }
__scs_overlays_trampoline_lowered:
0x8: {  	[smem:$0x3FA9] =	sst s0  }
0x9: {  	[smem:$0x3FAA] =	sst s1  }
0xa: {  	[smem:$0x3FAB] =	sst s2  }
0xb: {  	[smem:$0x3FAC] =	sst s3  }
0xc: {  	[smem:$0x3FAD] =	sst s4  }
0xd: {  	[smem:$0x3FAE] =	sst s5  }
0xe: {  	[smem:$0x3FAF] =	sst s6  }
0xf: {  	[smem:$0x3FB0] =	sst s7  }
0x10: {  	[smem:$0x3FB1] =	sst s8  }
0x11: {  	[smem:$0x3FB2] =	sst s9;
	s0 =	simm.s32 @!p0 $0x0  }
0x12: {  	s1 =	sld [smem:$0x3F98];
	s0 =	simm.s32 @p0 $0x1  }
0x13: {  	[smem:$0x3FB3] =	sst s0;
	s0 =	simm.s32 @!p1 $0x0  }
0x14: {  	s2 =	sld [smem:$0x3F97];
	s0 =	simm.s32 @p1 $0x1  }
0x15: {  	[smem:$0x3FB4] =	sst s0;
	s0 =	simm.s32 @!p2 $0x0  }
0x16: {  	s3 =	sld [smem:$0x3FDB];
	s0 =	simm.s32 @p2 $0x1  }
0x17: {  	s4 =	simm.s32 $0x1BF5;
	[smem:$0x3FB6] =	sst s0  }
0x18: {  	s0 =	sld [smem:$0x3F99];
	_ =	swait.ge [sflag:s4], $0x0  }
0x19: {  	s7 =	sld [smem:$0x3F9A]  }
0x1a: {  	s8 =	sadd.s32 $0xFFFFE003, lr  }
0x1b: {  	s9 =	sadd.s32 $0xFFFFFEF7, lr;
	s5 =	simm.s32 $0xFFFFFFFF;
	p2 =	slt.u32 s8, $0xFFFFF086  }
0x1c: {  	p1 =	slt.u32 s9, $0xF7A;
	s5 =	simm.s32 @!p2 $0x0  }
0x1d: {  	s5 =	simm.s32 @p1 $0x1;
	p0 =	seq.s32 s7, s2  }
0x1e: {  	s7 =	smul.u32 @!p0 $0xF7A, s2;
	p2 =	seq.s32 @!p0 s5, $0x0  }
0x1f: {  	s9 =	smul.u32 $0xF7A, s1;
	s8 =	simm.s32 @!p0 $0x1BF5;
	p2 =	por !p2, p0  }
0x20: {  	[sflag:s8] =	ssyncset.s32 @!p0 $0xFFFFF086;
	s6 =	sadd.s32 @!p0 s3, s7;
	s7 =	simm.s32 @!p0 $0x108  }
0x21: {  	s3 =	sadd.s32 s3, s9;
	s6 =	sadd.s32 @!p0 $0x88, s6;
	s7 =	simm.s32 @p2 $0x1082  }
0x22: {  	[simem:s7], [sflag:s8] =	dma.local @!p0 [hbm:s6], $0xF7A  }
0x23: {  	s9 =	sor.u32 $0xD0000000, s2;
	s6 =	simm.s32 $0x108;
	_ =	swait.ge @!p0 [sflag:s8], $0x0  }
0x24: {  	s3 =	sadd.s32 $0x88, s3;
	s6 =	simm.s32 @!p1 $0x1082;
	[sflag:s4] =	ssyncset.s32 $0xFFFFF086  }
0x25: {  	[simem:s6], [sflag:s4] =	dma.local [hbm:s3], $0xF7A  }
0x26: {  	[smem:$0x3F9A] =	sst s1;
	(tag) =	ssettag s2;
	_ =	strace s9  }
0x27: {  	s1 =	sld [smem:$0x3FAA]  }
0x28: {  	s2 =	sld [smem:$0x3FAB]  }
0x29: {  	s4 =	sld [smem:$0x3FAD]  }
0x2a: {  	p0 =	seq.s32 s5, $0x0;
	s5 =	sld [smem:$0x3FAE]  }
0x2b: {  	s6 =	sld [smem:$0x3FAF]  }
0x2c: {  	s7 =	sld [smem:$0x3FB0]  }
0x2d: {  	s3 =	simm.s32 $0x108;
	s8 =	sld [smem:$0x3FB1]  }
0x2e: {  	s3 =	simm.s32 @!p0 $0x1082;
	s9 =	sld [smem:$0x3FB2]  }
0x2f: {  	lr =	sadd.s32 s0, s3;
	s0 =	sld [smem:$0x3FA9]  }
0x30: {  	s3 =	sld [smem:$0x3FAC]  }
0x31: {  	[smem:$0x3FB5] =	sst s10  }
0x32: {  	s10 =	sld [smem:$0x3FB3];
	_ =	sdelay $0x3  }
0x33: {  	p0 =	seq.s32 s10, $0x1;
	s10 =	sld [smem:$0x3FB5];
	_ =	sdelay $0x3  }
0x34: {  	[smem:$0x3FB5] =	sst s10  }
0x35: {  	s10 =	sld [smem:$0x3FB4];
	_ =	sdelay $0x3  }
0x36: {  	p1 =	seq.s32 s10, $0x1;
	s10 =	sld [smem:$0x3FB5];
	_ =	sdelay $0x3  }
0x37: {  	[smem:$0x3FB5] =	sst s10  }
0x38: {  	s10 =	sld [smem:$0x3FB6]  }
0x39: {  	_ = 	snop;
	(pc) =	sbr.ind lr, $3  }
0x3a: {  	_ = 	snop  }
0x3b: {  	_ = 	snop  }
0x3c: {  	p2 =	seq.s32 s10, $0x1;
	s10 =	sld [smem:$0x3FB5]  }
0x3d: {  	_ =	shalt  }
0x3e: {  	_ =	shalt  }
0x3f: {  	_ =	shalt  }
0x40: {  	_ =	shalt  }
0x41: {  	_ =	shalt  }
0x42: {  	_ =	shalt  }
0x43: {  	_ =	shalt  }
0x44: {  	_ =	shalt  }
0x45: {  	_ =	shalt  }
0x46: {  	_ =	shalt  }
0x47: {  	_ =	shalt  }
0x48: {  	_ =	shalt  }
0x49: {  	_ =	shalt  }
0x4a: {  	_ =	shalt  }
0x4b: {  	_ =	shalt  }
0x4c: {  	_ =	shalt  }
0x4d: {  	_ =	shalt  }
0x4e: {  	_ =	shalt  }
0x4f: {  	_ =	shalt  }
0x50: {  	_ =	shalt  }
0x51: {  	_ =	shalt  }
0x52: {  	_ =	shalt  }
0x53: {  	_ =	shalt  }
0x54: {  	_ =	shalt  }
0x55: {  	_ =	shalt  }
0x56: {  	_ =	shalt  }
0x57: {  	_ =	shalt  }
0x58: {  	_ =	shalt  }
0x59: {  	_ =	shalt  }
0x5a: {  	_ =	shalt  }
0x5b: {  	_ =	shalt  }
0x5c: {  	_ =	shalt  }
0x5d: {  	_ =	shalt  }
0x5e: {  	_ =	shalt  }
0x5f: {  	_ =	shalt  }
0x60: {  	_ =	shalt  }
0x61: {  	_ =	shalt  }
0x62: {  	_ =	shalt  }
0x63: {  	_ =	shalt  }
0x64: {  	_ =	shalt  }
0x65: {  	_ =	shalt  }
0x66: {  	_ =	shalt  }
0x67: {  	_ =	shalt  }
0x68: {  	_ =	shalt  }
0x69: {  	_ =	shalt  }
0x6a: {  	_ =	shalt  }
0x6b: {  	_ =	shalt  }
0x6c: {  	_ =	shalt  }
0x6d: {  	_ =	shalt  }
0x6e: {  	_ =	shalt  }
0x6f: {  	_ =	shalt  }
0x70: {  	_ =	shalt  }
0x71: {  	_ =	shalt  }
0x72: {  	_ =	shalt  }
0x73: {  	_ =	shalt  }
0x74: {  	_ =	shalt  }
0x75: {  	_ =	shalt  }
0x76: {  	_ =	shalt  }
0x77: {  	_ =	shalt  }
0x78: {  	_ =	shalt  }
0x79: {  	_ =	shalt  }
0x7a: {  	_ =	shalt  }
0x7b: {  	_ =	shalt  }
0x7c: {  	_ =	shalt  }
0x7d: {  	_ =	shalt  }
0x7e: {  	_ =	shalt  }
0x7f: {  	_ =	shalt  }
0x80: {  	_ =	shalt  }
0x81: {  	_ =	shalt  }
0x82: {  	_ =	shalt  }
0x83: {  	_ =	shalt  }
0x84: {  	_ =	shalt  }
0x85: {  	_ =	shalt  }
0x86: {  	_ =	shalt  }
0x87: {  	_ =	shalt  }
.Lfunc_end0:
.L_simem_size_0:
called_computation.1_lowered:
.L_overlay_start_0:
0x88: {  	s2 =	sld [smem:$0x3FD9]  }
0x89: {  	s3 =	sld [smem:$0x3FFE];
	_ =	sdelay $0x1  }
0x8a: {  	s1 =	srdreg.scid  }
0x8b: {  	s0 =	sand.u32 $0x1, s1  }
0x8c: {  	s16 =	sshll.u32 s0, $0xA;
	s2 =	sadd.s32 s3, s2  }
0x8d: {  	s2 =	sadd.s32 s2, s16  }
0x8e: {  	[smem:$0x3FC1] =	sst s2  }
0x8f: {  	_ = 	snop  }
0x90: {  	(tm) =	ssettm $0x1  }
0x91: {  	s17 =	sld [smem:$0x3FFB];
	_ =	sdelay $0x3  }
0x92: {  	_ =	strace s17  }
0x93: {  	s2 =	sld [smem:$0x3FFC];
	_ =	sdelay $0x3  }
0x94: {  	_ =	strace s2  }
0x95: {  	s2 =	sld [smem:$0x3FFD];
	_ =	sdelay $0x3  }
0x96: {  	_ =	strace s2  }
0x97: {  	_ =	strace $0x8FFFFFFF  }
0x98: {  	s18 =	sld [smem:$0x3FDB];
	_ =	sdelay $0x1  }
0x99: {  	s19 =	simm.s32 $_scs_section_size  }
0x9a: {  	s4 =	simm.s32 $_size__tile_overlayer_lowered;
	s5 =	simm.s32 $_tile_overlayer_lowered  }
0x9b: {  	s22 =	simm.s32 $0x1BFF;
	s21 =	sshll.u32 s5, $0x1;
	s2 =	sadd.s32 s19, s18  }
0x9c: {  	s6 =	simm.s32 $0x0;
	s20 =	sshll.u32 s4, $0x1;
	s4 =	sadd.s32 s21, s2  }
0x9d: {  	[timem:s6], [sflag:s22] =	dma.local [hbm:s4], s20  }
0x9e: {  	_ =	swait.ge [sflag:s22], s20  }
0x9f: {  	s3 =	ssub.s32 $0x0, s20;
	[sflag:s22] =	ssyncset.done $0x0  }
0xa0: {  	[sflag:s22] =	ssyncadd.s32 s3;
	_ =	sdelay $0x1  }
0xa1: {  	s23 =	simm.s32 $0x1B8B  }
0xa2: {  	_ =	swait.ge [sflag:s23], $0x1  }
0xa3: {  	[sflag:s23] =	ssyncset.done $0x0  }
0xa4: {  	s25 =	simm.s32 $0x1B8E;
	s24 =	sld [smem:$0x3FFE];
	[sflag:s23] =	ssyncadd.s32 $0xFFFFFFFF  }
0xa5: {  	s26 =	simm.s32 $execute0_lowered;
	[smem:$0x3FD2] =	sst s25  }
0xa6: {  	s4 =	sshll.u32 s26, $0x1;
	_ =	strace $0x80000049;
	[dreg:$0x1] =	wrdreg $0xFFFFFFFF  }
0xa7: {  	s28 =	simm.s32 $_size_execute0_lowered;
	s2 =	sadd.s32 s2, s4;
	[dreg:$0x0] =	wrdreg $0x0  }
0xa8: {  	s4 =	sshll.u32 s28, $0x1;
	[dreg:$0x2] =	wrdreg s2  }
0xa9: {  	[dreg:$0x3] =	wrdreg s4  }
0xaa: {  	[dreg:$0x4] =	wrdreg $0xC0  }
0xab: {  	_ =	task [dreg:s6], $0x5FFFF  }
0xac: {  	[dreg:$0x1] =	wrdreg $0xFFFFFFFF  }
0xad: {  	[dreg:$0x0] =	wrdreg $0x60  }
0xae: {  	[dreg:$0x2] =	wrdreg s24  }
0xaf: {  	[dreg:$0x3] =	wrdreg $0x9  }
0xb0: {  	_ =	task.clear_ibuf [dreg:s6], $0x4FFFF;
	_ =	strace $0x90000049  }
0xb1: {  	s29 =	simm.s32 $0x9;
	_ =	strace $0x8000004B  }
0xb2: {  	_ =	swait.ge [sflag:s29], $0x1  }
0xb3: {  	[sflag:s29] =	ssyncadd.s32 $0xFFFFFFFF  }
0xb4: {  	_ =	strace $0x9000004B  }
0xb5: {  	_ =	sfence  }
0xb6: {  	s30 =	sld [smem:$0x0];
	_ =	sdelay $0x2  }
0xb7: {  	s31 =	sshll.u32 s1, $0xD;
	s1 =	sshrl.u32 s1, $0x2  }
0xb8: {  	s3 =	sand.u32 $0x4000, s31;
	s1 =	sadd.s32 s1, s30  }
0xb9: {  	s0 =	sor.u32 s3, s0;
	s1 =	sshll.u32 s1, $0x11  }
0xba: {  	s0 =	sor.u32 s1, s0  }
0xbb: {  	s0 =	sadd.s32 $0x8F2B, s0  }
0xbc: {  	[sflag:s0] =	ssyncadd.remote.s32 $0x1  }
0xbd: {  	_ =	sfence.sel $0xFFFF  }
0xbe: {  	[dreg:$0x0] =	wrdreg $0xFFFFFFFF;
	(pc) =	sbr.abs _section_cstart, $3  }
0xbf: {  	[dreg:$0x1] =	wrdreg $0xFFFFFFFF  }
0xc0: {  	_ =	task.clear_ibuf [dreg:s6], $0x2FFFF;
	_ =	strace $0x9FFFFFFF  }
0xc1: {  	(tm) =	ssettm $0x7FFFFFFF  }
tec
execute0_lowered:
.L_overlay_start_1:
0x0: {  	(tag) =	ssettag $0x1  }
0x1: {  	s1 =	srdreg.scid  }
0x2: {  	s0 =	stileid.u32;
	s2 =	rddreg [dreg:$0x0];
	s6 =	simm.s32 $0x1  }
0x3: {  	s9 =	simm.s32 $0x1;
	s10 =	simm.s32 $0x3;
	s1 =	sshll.u32 s1, $0x9  }
0x4: {  	s13 =	simm.s32 $0x0;
	s3 =	sshll.u32 s0, $0xA;
	s4 =	sand.u32 $0x200, s1  }
0x5: {  	s12 =	simm.s32 $0x0;
	s5 =	sadd.s32 $0x11A00, s2;
	s3 =	sor.u32 s3, s4  }
0x6: {  	s1 =	rddreg [dreg:$0x1];
	_ =	strace $0x8000004A;
	s8 =	ssub.s32 $0x8000, s3  }
.Ltmp0:
0x7: {  	s4 =	sadd.s32 $0x2200, s2;
	s7 =	sand.u32 $0x3E00, s8;
	(pc) =	sbr.rel .LBB2_1-.Ltmp0, $4  }
0x8: {  	[sflag:s6] =	ssyncpa.u1 $0x0;
	s11 =	smov.u32 s3;
	p0 =	sne.s32 s7, $0x0  }
0x9: {  	s8 =	sshrl.u32 s8, $0xE;
	s7 =	simm.s32 $0x2;
	s9 =	simm.s32 @!p0 $0x0  }
0xa: {  	[sflag:s7] =	ssyncpa.u1 $0x0;
	p0 =	por $0x0, $0x0;
	s8 =	sadd.s32 s9, s8  }
0xb: {  	vm0 =	vmmov $0xffff;
	[sflag:s10] =	ssyncpa.u1 $0x0;
	s10 =	simm.s32 $0x0;
	s9 =	sadd.s32 $0x1, s8  }
.LBB2_4:
0xc: {  	v2 =	vnsel vm1, $0x0, v2  }
0xd: {  	vm1 =	vgt.s32 v0, $0x0;
	v2 =	vmin.u32 v2, $0x7FFF  }
0xe: {  	v0 =	vnsel vm1, $0x0, v0  }
0xf: {  	v0 =	vmin.u32 v0, $0x7FFF  }
0x10: {  	[tilespmem:s15], [sflag:$0x1] =	stream.indirect_vreg.gather [hbm4b:s2+s10], $0x1, v1, vm0, $0x4038;
	[tilespmem:$0x800] =	vst v63  }
0x11: {  	(ifvalue) =	ssetifvalue $0x7FFFFFFF  }
0x12: {  	[tilespmem:s16], [sflag:$0x1] =	stream.indirect_vreg.gather [hbm4b:s2+s10], $0x1, v2, vm0, $0x4038;
	[tilespmem:$0x800] =	vst v63  }
0x13: {  	s29 =	sadd.s32 $0x10, s16;
	(ifvalue) =	ssetifvalue $0x7FFFFFFF  }
0x14: {  	[tilespmem:s29], [sflag:$0x1] =	stream.indirect_vreg.gather [hbm4b:s2+s10], $0x1, v0, vm0, $0x4038;
	[tilespmem:$0x800] =	vst v63  }
0x15: {  	_ =	swait.ge [sflag:s6], $0x200  }
0x16: {  	s30 =	sshrl.u32 s13, $0x3;
	[sflag:s6] =	ssyncset.done $0x0  }
0x17: {  	s31 =	sand.u32 $0x7, s13;
	s15 =	sadd.s32 s5, s30;
	[sflag:s6] =	ssyncadd.s32 $0xFFFFFE00  }
0x18: {  	[hbm4b:s15+s31] =	stream.linear.scatter [tilespmem:s14], [sflag:$0x3], $0x200, $0x38;
	[tilespmem:$0x800] =	vst v63  }
.LBB2_5:
0x19: {  	s15 =	sadd.s32 $0x4000, s11  }
0x1a: {  	p2 =	sgt.s32 s15, $0x7FFF  }
0x1b: {  	s15 =	smov.u32 @p2 s3;
	p2 =	sne.s32 s12, s9  }
.Ltmp1:
0x1c: {  	p1 =	slt.u32 s12, $0x2;
	(pc) =	sbr.rel @!p2 .LBB2_6-.Ltmp1, $4  }
0x1d: {  	s14 =	simm.s32 @!p1 $0x3  }
0x1e: {  	s16 =	sadd.s32 $0x1, s12;
	_ =	swait.ge @!p1 [sflag:s14], $0x200  }
0x1f: {  	s13 =	smov.u32 s11;
	p0 =	por !p0, !p0;
	[sflag:s14] =	ssyncset.done @!p1 $0x0  }
0x20: {  	s12 =	smov.u32 s16;
	s11 =	smov.u32 s15;
	[sflag:s14] =	ssyncadd.s32 @!p1 $0xFFFFFE00  }
.LBB2_1:
0x21: {  	p1 =	sge.u32 s12, s8  }
0x22: {  	s14 =	sxor.u32 @!p1 $0xFFFFFFFF, s12  }
0x23: {  	s31 =	sadd.s32 $0xFFFFFFFF, s12;
	s15 =	sshrl.u32 @!p1 s11, $0x3;
	s14 =	sshll.u32 @!p1 s14, $0x9  }
0x24: {  	s16 =	sand.u32 @!p1 $0x7, s11;
	s15 =	sadd.s32 @!p1 s4, s15;
	s14 =	sand.u32 @!p1 $0x200, s14  }
0x25: {  	[tilespmem:s14], [sflag:$0x2] =	stream.linear.gather @!p1 [hbm4b:s15+s16], $0x200, $0x38;
	[tilespmem:$0x800] =	vst v63  }
0x26: {  	p1 =	sge.u32 s31, s8  }
.Ltmp2:
0x27: {  	_ = 	snop;
	(pc) =	sbr.rel @p1 .LBB2_5-.Ltmp2, $1  }
0x28: {  	_ =	sdelay $0x3  }
0x29: {  	s14 =	simm.s32 $0x1  }
0x2a: {  	_ =	swait.ge [sflag:s7], $0x200;
	s14 =	simm.s32 @!p0 $0x0  }
0x2b: {  	[sflag:s7] =	ssyncset.done $0x0;
	s14 =	sshll.u32 s14, $0x9  }
0x2c: {  	[sflag:s7] =	ssyncadd.s32 $0xFFFFFE00;
	(ifvalue) =	ssetifvalue $0x7FFFFFFF;
	v0 =	vld.msk [tilespmem:s14+$0x0 ss:$0x1], $0xffff;
	_ =	sdelay $0x4  }
0x2d: {  	s15 =	sadd.s32 $0x10, s14;
	vm1 =	vgt.s32 v0, $0x0  }
0x2e: {  	v2 =	vld.msk [tilespmem:s15+$0x0 ss:$0x1], $0xffff;
	v1 =	vnsel vm1, $0x0, v0  }
0x2f: {  	v1 =	vmin.u32 v1, $0x7FFF;
	_ =	sdelay $0x1  }
0x30: {  	s16 =	sshll.u32 s12, $0x9;
	s18 =	simm.s32 $0x20  }
0x31: {  	s16 =	sand.u32 $0x200, s16;
	s17 =	sadd.s32 $0x10, s15;
	s15 =	sor.u32 $0x400, s14  }
0x32: {  	s14 =	sor.u32 $0x400, s16;
	s16 =	sadd.s32 $0x10, s15;
	v0 =	vld.msk [tilespmem:s17+$0x0 ss:$0x1], $0xffff;
	vm1 =	vgt.s32 v2, $0x0;
	(ifvalue) =	ssetifvalue $0x7FFFFFFF  }
.LBB2_3:
0x33: {  	[tilespmem:s15], [sflag:$0x1] =	stream.indirect_vreg.gather [hbm4b:s2+s10], $0x1, v1, vm0, $0x4038;
	[tilespmem:$0x800] =	vst v63  }
0x34: {  	s18 =	sadd.s32 $0x10, s18  }
0x35: {  	v2 =	vnsel vm1, $0x0, v2;
	p1 =	slt.u32 s18, $0x1F0  }
.Ltmp3:
0x36: {  	s15 =	smov.u32 s16;
	v1 =	vmin.u32 v2, $0x7FFF;
	(pc) =	sbr.rel @p1 .LBB2_3-.Ltmp3, $3  }
0x37: {  	_ =	sdelay $0x1  }
0x38: {  	s17 =	sadd.s32 $0x10, s17  }
0x39: {  	vm1 =	vgt.s32 v0, $0x0;
	s16 =	sadd.s32 $0x10, s16;
	v2 =	vmov v0;
	(ifvalue) =	ssetifvalue $0x7FFFFFFF;
	v0 =	vld.msk [tilespmem:s17+$0x0 ss:$0x1], $0xffff  }
.Ltmp4:
0x3a: {  	_ = 	snop;
	(pc) =	sbr.rel .LBB2_4-.Ltmp4, $1  }
0x3b: {  	_ =	sdelay $0x3  }
.LBB2_6:
0x3c: {  	_ =	sfence.sel $0x180000  }
0x3d: {  	s2 =	simm.s32 $0x2;
	[bflag:$0x0] =	sbarrier.arrive $0xFFFF  }
0x3e: {  	s30 =	simm.s32 $0x3;
	[sflag:s2] =	ssyncpa.u1 $0x1  }
0x3f: {  	s31 =	simm.s32 $0x1;
	[sflag:s30] =	ssyncpa.u1 $0x1  }
0x40: {  	[sflag:s31] =	ssyncpa.u1 $0x1  }
0x41: {  	p0 =	sne.s32 s0, $0x0;
	_ =	strace $0x9000004A  }
0x42: {  	s0 =	sadd.s32 @!p0 $0x100000, s1;
	[bflag:$0x2] =	sbarrier.arrive $0xFFFF  }
0x43: {  	[sflag:s0] =	ssyncadd.tile.s32 @!p0 $0x1;
	_ =	shalt  }
.Lfunc_end2:
_tile_overlayer_lowered:
.L_overlay_start_2:
0x44: {  	(tag) =	ssettag $0x2  }
0x45: {  	s0 =	rddreg [dreg:$0x0];
	s2 =	stileid.u32  }
0x46: {  	s1 =	rddreg [dreg:$0x1];
	p0 =	sne.s32 s2, $0x0  }
0x47: {  	s3 =	rddreg [dreg:$0x2];
	[bflag:$0x3] =	sbarrier.arrive $0xFFFF;
	s2 =	simm.s32 @!p0 $0x1C01  }
0x48: {  	[timem:s3], [sflag:s2] =	dma.local @!p0 [hbm:s0], s1  }
0x49: {  	s0 =	simm.s32 @!p0 $0x1  }
0x4a: {  	_ =	swait.ge @!p0 [sflag:s0], s1  }
0x4b: {  	s1 =	ssub.s32 @!p0 $0x0, s1;
	[sflag:s0] =	ssyncset.done @!p0 $0x0  }
0x4c: {  	[sflag:s0] =	ssyncadd.s32 @!p0 s1  }
0x4d: {  	[bflag:$0x3] =	sbarrier.arrive $0xFFFF  }
0x4e: {  	_ =	shalt  }

// kernel: kernel.10.cloned.1.call-start
scs
__scs_entry_jumppad:
0x0: {  	(pc) =	sbr.rel $0x88, $3  }
0x1: {  	(tag) =	ssettag $0x0;
	lr =	simm.s32 $0x1  }
0x2: {  	[smem:$0x3F9A] =	sst lr;
	_ =	strace $0xD0000000  }
0x3: {  	_ = 	snop  }
0x4: {  	_ = 	snop  }
0x5: {  	_ = 	snop  }
0x6: {  	_ = 	snop  }
0x7: {  	_ = 	snop  }
__scs_overlays_trampoline_lowered:
0x8: {  	[smem:$0x3FA9] =	sst s0  }
0x9: {  	[smem:$0x3FAA] =	sst s1  }
0xa: {  	[smem:$0x3FAB] =	sst s2  }
0xb: {  	[smem:$0x3FAC] =	sst s3  }
0xc: {  	[smem:$0x3FAD] =	sst s4  }
0xd: {  	[smem:$0x3FAE] =	sst s5  }
0xe: {  	[smem:$0x3FAF] =	sst s6  }
0xf: {  	[smem:$0x3FB0] =	sst s7  }
0x10: {  	[smem:$0x3FB1] =	sst s8  }
0x11: {  	[smem:$0x3FB2] =	sst s9;
	s0 =	simm.s32 @!p0 $0x0  }
0x12: {  	s1 =	sld [smem:$0x3F98];
	s0 =	simm.s32 @p0 $0x1  }
0x13: {  	[smem:$0x3FB3] =	sst s0;
	s0 =	simm.s32 @!p1 $0x0  }
0x14: {  	s2 =	sld [smem:$0x3F97];
	s0 =	simm.s32 @p1 $0x1  }
0x15: {  	[smem:$0x3FB4] =	sst s0;
	s0 =	simm.s32 @!p2 $0x0  }
0x16: {  	s3 =	sld [smem:$0x3FDB];
	s0 =	simm.s32 @p2 $0x1  }
0x17: {  	s4 =	simm.s32 $0x1BF5;
	[smem:$0x3FB6] =	sst s0  }
0x18: {  	s0 =	sld [smem:$0x3F99];
	_ =	swait.ge [sflag:s4], $0x0  }
0x19: {  	s7 =	sld [smem:$0x3F9A]  }
0x1a: {  	s8 =	sadd.s32 $0xFFFFE003, lr  }
0x1b: {  	s9 =	sadd.s32 $0xFFFFFEF7, lr;
	s5 =	simm.s32 $0xFFFFFFFF;
	p2 =	slt.u32 s8, $0xFFFFF086  }
0x1c: {  	p1 =	slt.u32 s9, $0xF7A;
	s5 =	simm.s32 @!p2 $0x0  }
0x1d: {  	s5 =	simm.s32 @p1 $0x1;
	p0 =	seq.s32 s7, s2  }
0x1e: {  	s7 =	smul.u32 @!p0 $0xF7A, s2;
	p2 =	seq.s32 @!p0 s5, $0x0  }
0x1f: {  	s9 =	smul.u32 $0xF7A, s1;
	s8 =	simm.s32 @!p0 $0x1BF5;
	p2 =	por !p2, p0  }
0x20: {  	[sflag:s8] =	ssyncset.s32 @!p0 $0xFFFFF086;
	s6 =	sadd.s32 @!p0 s3, s7;
	s7 =	simm.s32 @!p0 $0x108  }
0x21: {  	s3 =	sadd.s32 s3, s9;
	s6 =	sadd.s32 @!p0 $0x88, s6;
	s7 =	simm.s32 @p2 $0x1082  }
0x22: {  	[simem:s7], [sflag:s8] =	dma.local @!p0 [hbm:s6], $0xF7A  }
0x23: {  	s9 =	sor.u32 $0xD0000000, s2;
	s6 =	simm.s32 $0x108;
	_ =	swait.ge @!p0 [sflag:s8], $0x0  }
0x24: {  	s3 =	sadd.s32 $0x88, s3;
	s6 =	simm.s32 @!p1 $0x1082;
	[sflag:s4] =	ssyncset.s32 $0xFFFFF086  }
0x25: {  	[simem:s6], [sflag:s4] =	dma.local [hbm:s3], $0xF7A  }
0x26: {  	[smem:$0x3F9A] =	sst s1;
	(tag) =	ssettag s2;
	_ =	strace s9  }
0x27: {  	s1 =	sld [smem:$0x3FAA]  }
0x28: {  	s2 =	sld [smem:$0x3FAB]  }
0x29: {  	s4 =	sld [smem:$0x3FAD]  }
0x2a: {  	p0 =	seq.s32 s5, $0x0;
	s5 =	sld [smem:$0x3FAE]  }
0x2b: {  	s6 =	sld [smem:$0x3FAF]  }
0x2c: {  	s7 =	sld [smem:$0x3FB0]  }
0x2d: {  	s3 =	simm.s32 $0x108;
	s8 =	sld [smem:$0x3FB1]  }
0x2e: {  	s3 =	simm.s32 @!p0 $0x1082;
	s9 =	sld [smem:$0x3FB2]  }
0x2f: {  	lr =	sadd.s32 s0, s3;
	s0 =	sld [smem:$0x3FA9]  }
0x30: {  	s3 =	sld [smem:$0x3FAC]  }
0x31: {  	[smem:$0x3FB5] =	sst s10  }
0x32: {  	s10 =	sld [smem:$0x3FB3];
	_ =	sdelay $0x3  }
0x33: {  	p0 =	seq.s32 s10, $0x1;
	s10 =	sld [smem:$0x3FB5];
	_ =	sdelay $0x3  }
0x34: {  	[smem:$0x3FB5] =	sst s10  }
0x35: {  	s10 =	sld [smem:$0x3FB4];
	_ =	sdelay $0x3  }
0x36: {  	p1 =	seq.s32 s10, $0x1;
	s10 =	sld [smem:$0x3FB5];
	_ =	sdelay $0x3  }
0x37: {  	[smem:$0x3FB5] =	sst s10  }
0x38: {  	s10 =	sld [smem:$0x3FB6]  }
0x39: {  	_ = 	snop;
	(pc) =	sbr.ind lr, $3  }
0x3a: {  	_ = 	snop  }
0x3b: {  	_ = 	snop  }
0x3c: {  	p2 =	seq.s32 s10, $0x1;
	s10 =	sld [smem:$0x3FB5]  }
0x3d: {  	_ =	shalt  }
0x3e: {  	_ =	shalt  }
0x3f: {  	_ =	shalt  }
0x40: {  	_ =	shalt  }
0x41: {  	_ =	shalt  }
0x42: {  	_ =	shalt  }
0x43: {  	_ =	shalt  }
0x44: {  	_ =	shalt  }
0x45: {  	_ =	shalt  }
0x46: {  	_ =	shalt  }
0x47: {  	_ =	shalt  }
0x48: {  	_ =	shalt  }
0x49: {  	_ =	shalt  }
0x4a: {  	_ =	shalt  }
0x4b: {  	_ =	shalt  }
0x4c: {  	_ =	shalt  }
0x4d: {  	_ =	shalt  }
0x4e: {  	_ =	shalt  }
0x4f: {  	_ =	shalt  }
0x50: {  	_ =	shalt  }
0x51: {  	_ =	shalt  }
0x52: {  	_ =	shalt  }
0x53: {  	_ =	shalt  }
0x54: {  	_ =	shalt  }
0x55: {  	_ =	shalt  }
0x56: {  	_ =	shalt  }
0x57: {  	_ =	shalt  }
0x58: {  	_ =	shalt  }
0x59: {  	_ =	shalt  }
0x5a: {  	_ =	shalt  }
0x5b: {  	_ =	shalt  }
0x5c: {  	_ =	shalt  }
0x5d: {  	_ =	shalt  }
0x5e: {  	_ =	shalt  }
0x5f: {  	_ =	shalt  }
0x60: {  	_ =	shalt  }
0x61: {  	_ =	shalt  }
0x62: {  	_ =	shalt  }
0x63: {  	_ =	shalt  }
0x64: {  	_ =	shalt  }
0x65: {  	_ =	shalt  }
0x66: {  	_ =	shalt  }
0x67: {  	_ =	shalt  }
0x68: {  	_ =	shalt  }
0x69: {  	_ =	shalt  }
0x6a: {  	_ =	shalt  }
0x6b: {  	_ =	shalt  }
0x6c: {  	_ =	shalt  }
0x6d: {  	_ =	shalt  }
0x6e: {  	_ =	shalt  }
0x6f: {  	_ =	shalt  }
0x70: {  	_ =	shalt  }
0x71: {  	_ =	shalt  }
0x72: {  	_ =	shalt  }
0x73: {  	_ =	shalt  }
0x74: {  	_ =	shalt  }
0x75: {  	_ =	shalt  }
0x76: {  	_ =	shalt  }
0x77: {  	_ =	shalt  }
0x78: {  	_ =	shalt  }
0x79: {  	_ =	shalt  }
0x7a: {  	_ =	shalt  }
0x7b: {  	_ =	shalt  }
0x7c: {  	_ =	shalt  }
0x7d: {  	_ =	shalt  }
0x7e: {  	_ =	shalt  }
0x7f: {  	_ =	shalt  }
0x80: {  	_ =	shalt  }
0x81: {  	_ =	shalt  }
0x82: {  	_ =	shalt  }
0x83: {  	_ =	shalt  }
0x84: {  	_ =	shalt  }
0x85: {  	_ =	shalt  }
0x86: {  	_ =	shalt  }
0x87: {  	_ =	shalt  }
.Lfunc_end0:
.L_simem_size_0:
called_computation.3_lowered:
.L_overlay_start_0:
0x88: {  	s2 =	sld [smem:$0x3FD9]  }
0x89: {  	s3 =	sld [smem:$0x3FFE];
	_ =	sdelay $0x1  }
0x8a: {  	s1 =	srdreg.scid  }
0x8b: {  	s0 =	sand.u32 $0x1, s1  }
0x8c: {  	s16 =	sshll.u32 s0, $0xA;
	s2 =	sadd.s32 s3, s2  }
0x8d: {  	s2 =	sadd.s32 s2, s16  }
0x8e: {  	[smem:$0x3FC1] =	sst s2  }
0x8f: {  	_ = 	snop  }
0x90: {  	(tm) =	ssettm $0x1  }
0x91: {  	s17 =	sld [smem:$0x3FFB];
	_ =	sdelay $0x3  }
0x92: {  	_ =	strace s17  }
0x93: {  	s2 =	sld [smem:$0x3FFC];
	_ =	sdelay $0x3  }
0x94: {  	_ =	strace s2  }
0x95: {  	s2 =	sld [smem:$0x3FFD];
	_ =	sdelay $0x3  }
0x96: {  	_ =	strace s2  }
0x97: {  	_ =	strace $0x8FFFFFFF  }
0x98: {  	s18 =	sld [smem:$0x3FDB];
	_ =	sdelay $0x1  }
0x99: {  	s19 =	simm.s32 $_scs_section_size  }
0x9a: {  	s4 =	simm.s32 $_size__tile_overlayer_lowered;
	s5 =	simm.s32 $_tile_overlayer_lowered  }
0x9b: {  	s22 =	simm.s32 $0x1BFF;
	s21 =	sshll.u32 s5, $0x1;
	s2 =	sadd.s32 s19, s18  }
0x9c: {  	s6 =	simm.s32 $0x0;
	s20 =	sshll.u32 s4, $0x1;
	s4 =	sadd.s32 s21, s2  }
0x9d: {  	[timem:s6], [sflag:s22] =	dma.local [hbm:s4], s20  }
0x9e: {  	_ =	swait.ge [sflag:s22], s20  }
0x9f: {  	s3 =	ssub.s32 $0x0, s20;
	[sflag:s22] =	ssyncset.done $0x0  }
0xa0: {  	[sflag:s22] =	ssyncadd.s32 s3;
	_ =	sdelay $0x1  }
0xa1: {  	s23 =	simm.s32 $0x1B8B  }
0xa2: {  	_ =	swait.ge [sflag:s23], $0x1  }
0xa3: {  	[sflag:s23] =	ssyncset.done $0x0  }
0xa4: {  	s25 =	simm.s32 $0x1B8E;
	s24 =	sld [smem:$0x3FFE];
	[sflag:s23] =	ssyncadd.s32 $0xFFFFFFFF  }
0xa5: {  	s26 =	simm.s32 $execute0_lowered;
	[smem:$0x3FD2] =	sst s25  }
0xa6: {  	s4 =	sshll.u32 s26, $0x1;
	_ =	strace $0x8000004F;
	[dreg:$0x1] =	wrdreg $0xFFFFFFFF  }
0xa7: {  	s28 =	simm.s32 $_size_execute0_lowered;
	s2 =	sadd.s32 s2, s4;
	[dreg:$0x0] =	wrdreg $0x0  }
0xa8: {  	s4 =	sshll.u32 s28, $0x1;
	[dreg:$0x2] =	wrdreg s2  }
0xa9: {  	[dreg:$0x3] =	wrdreg s4  }
0xaa: {  	[dreg:$0x4] =	wrdreg $0xC0  }
0xab: {  	_ =	task [dreg:s6], $0x5FFFF  }
0xac: {  	[dreg:$0x1] =	wrdreg $0xFFFFFFFF  }
0xad: {  	[dreg:$0x0] =	wrdreg $0x60  }
0xae: {  	[dreg:$0x2] =	wrdreg s24  }
0xaf: {  	[dreg:$0x3] =	wrdreg $0x9  }
0xb0: {  	_ =	task.clear_ibuf [dreg:s6], $0x4FFFF;
	_ =	strace $0x9000004F  }
0xb1: {  	s29 =	simm.s32 $0x9;
	_ =	strace $0x80000051  }
0xb2: {  	_ =	swait.ge [sflag:s29], $0x1  }
0xb3: {  	[sflag:s29] =	ssyncadd.s32 $0xFFFFFFFF  }
0xb4: {  	_ =	strace $0x90000051  }
0xb5: {  	_ =	sfence  }
0xb6: {  	s30 =	sld [smem:$0x0];
	_ =	sdelay $0x2  }
0xb7: {  	s31 =	sshll.u32 s1, $0xD;
	s1 =	sshrl.u32 s1, $0x2  }
0xb8: {  	s3 =	sand.u32 $0x4000, s31;
	s1 =	sadd.s32 s1, s30  }
0xb9: {  	s0 =	sor.u32 s3, s0;
	s1 =	sshll.u32 s1, $0x11  }
0xba: {  	s0 =	sor.u32 s1, s0  }
0xbb: {  	s0 =	sadd.s32 $0x8F2B, s0  }
0xbc: {  	[sflag:s0] =	ssyncadd.remote.s32 $0x1  }
0xbd: {  	_ =	sfence.sel $0xFFFF  }
0xbe: {  	[dreg:$0x0] =	wrdreg $0xFFFFFFFF;
	(pc) =	sbr.abs _section_cstart, $3  }
0xbf: {  	[dreg:$0x1] =	wrdreg $0xFFFFFFFF  }
0xc0: {  	_ =	task.clear_ibuf [dreg:s6], $0x2FFFF;
	_ =	strace $0x9FFFFFFF  }
0xc1: {  	(tm) =	ssettm $0x7FFFFFFF  }
tec
execute0_lowered:
.L_overlay_start_1:
0x0: {  	(tag) =	ssettag $0x1  }
0x1: {  	s0 =	srdreg.scid;
	s5 =	stileid.u32  }
0x2: {  	s1 =	rddreg [dreg:$0x0];
	s2 =	simm.s32 $0x0;
	s14 =	simm.s32 $0x880  }
0x3: {  	s16 =	simm.s32 $0x1080;
	s17 =	simm.s32 $0x1880;
	s18 =	simm.s32 $0x2080  }
0x4: {  	s19 =	simm.s32 $0x2880;
	s9 =	simm.s32 $0x3080;
	[smem:$0x7FF] =	sst s2  }
0x5: {  	s20 =	simm.s32 $0x3880;
	_ =	strace $0x80000050;
	[dreg:$0x3] =	wrdreg s14  }
0x6: {  	s21 =	simm.s32 $0x4080;
	s22 =	simm.s32 $0x4880;
	[dreg:$0x4] =	wrdreg s16  }
0x7: {  	s23 =	simm.s32 $0x5080;
	s24 =	simm.s32 $0x5880;
	[dreg:$0x5] =	wrdreg s17  }
0x8: {  	s25 =	simm.s32 $0x6080;
	s10 =	simm.s32 $0x80;
	[dreg:$0x6] =	wrdreg s18  }
0x9: {  	s26 =	simm.s32 $0x6880;
	s11 =	simm.s32 $0x7080;
	[dreg:$0x7] =	wrdreg s19  }
0xa: {  	s12 =	simm.s32 $0x7880;
	s28 =	simm.s32 $0xF080;
	[dreg:$0x8] =	wrdreg s9  }
0xb: {  	s29 =	simm.s32 $0xF880;
	s30 =	simm.s32 $0x1;
	[dreg:$0x9] =	wrdreg s20  }
0xc: {  	s31 =	simm.s32 $0x0;
	s0 =	sand.u32 $0x1, s0;
	[dreg:$0xa] =	wrdreg s21  }
0xd: {  	s3 =	sshll.u32 s5, $0xB;
	s5 =	sshll.u32 s5, $0x12;
	[dreg:$0xb] =	wrdreg s22  }
0xe: {  	s4 =	sshll.u32 s0, $0xA;
	s8 =	sadd.s32 s5, s1;
	[dreg:$0xc] =	wrdreg s23  }
0xf: {  	s15 =	ssub.s32 $0x2, s0;
	s5 =	sadd.s32 $0x607200, s1;
	[dreg:$0xd] =	wrdreg s24  }
0x10: {  	s0 =	sshll.u32 s0, $0x11;
	s9 =	simm.s32 $0x2;
	[dreg:$0xe] =	wrdreg s25  }
0x11: {  	[dreg:$0xf] =	wrdreg s26;
	s14 =	simm.s32 $0x8880;
	s16 =	simm.s32 $0x9880  }
0x12: {  	s17 =	simm.s32 $0xA080;
	s18 =	simm.s32 $0xA880;
	s19 =	simm.s32 $0xB080  }
0x13: {  	s20 =	simm.s32 $0xB880;
	s21 =	simm.s32 $0xC080;
	s22 =	simm.s32 $0xC880  }
0x14: {  	s23 =	simm.s32 $0xD080;
	s24 =	simm.s32 $0xD880;
	s25 =	simm.s32 $0xE080  }
0x15: {  	s26 =	simm.s32 $0xE880;
	s3 =	sor.u32 s4, s3;
	s6 =	sshrl.u32 s15, $0x1  }
0x16: {  	s0 =	sadd.s32 s0, s8;
	s3 =	sshrl.u32 s3, $0x3;
	s7 =	ssub.s32 s15, s6  }
0x17: {  	s6 =	sadd.s32 $0x607300, s1;
	s0 =	sadd.s32 $0x2400, s0;
	s15 =	simm.s32 $0x9080  }
0x18: {  	v2 =	vlaneseq.u32;
	s13 =	sadd.s32 s3, s1;
	s7 =	smax.u32 s7, $0x1;
	[dreg:$0x11] =	wrdreg s0  }
0x19: {  	vm0 =	vmmov $0xffff;
	v1 =	vshrl.u32 v2, $0x3;
	s3 =	sadd.s32 $0x607000, s1;
	s4 =	sadd.s32 $0x1400, s13;
	[dreg:$0x10] =	wrdreg s7  }
0x1a: {  	v0 =	vand.u32 $0x7, v2;
	v2 =	vor.u32 $0x8, v2;
	v1 =	vmul.u32 $0x8, v1;
	s13 =	simm.s32 $0x8080;
	[dreg:$0x2] =	wrdreg s4;
	s4 =	sadd.s32 $0x607100, s1  }
.LBB2_1:
0x1b: {  	s8 =	rddreg [dreg:$0x11];
	s0 =	simm.s32 $0x0  }
.LBB2_2:
0x1c: {  	s7 =	rddreg [dreg:$0x2]  }
0x1d: {  	s7 =	sadd.s32 s0, s7  }
0x1e: {  	[tilespmem:s2], [sflag:$0x2] =	stream.linear.gather [hbm4b:s7+s2], $0x40, $0x38;
	[tilespmem:$0x10080] =	vst v63  }
0x1f: {  	_ =	swait.ge [sflag:s9], $0x40  }
0x20: {  	[sflag:s9] =	ssyncset.done $0x0  }
0x21: {  	[sflag:s9] =	ssyncadd.s32 $0xFFFFFFC0  }
0x22: {  	v3 =	vld [tilespmem:$0x0];
	_ =	sdelay $0x4  }
0x23: {  	v4 =	vshll.u32 v3, $0x3  }
0x24: {  	v3 =	vand.u32 $0x7, v3;
	v4 =	vand.u32 $0xFFFFFFC0, v4  }
0x25: {  	v3 =	vor.u32 v3, v4  }
0x26: {  	v4 =	vperm.xlane v3, v0;
	_ =	sdelay $0x1  }
0x27: {  	v4 =	vadd.s32 v1, v4;
	_ =	sdelay $0x4  }
0x28: {  	[tilespmem:s10], [sflag:$0x1] =	stream.indirect_vreg.gather [hbm4b:s3+s2], $0x80, v4, vm0, $0xb8;
	[tilespmem:$0x10080] =	vst v63  }
0x29: {  	s7 =	rddreg [dreg:$0x3];
	v3 =	vperm.xlane v3, v2  }
0x2a: {  	[tilespmem:s7], [sflag:$0x1] =	stream.indirect_vreg.gather [hbm4b:s4+s2], $0x80, v4, vm0, $0xb8;
	[tilespmem:$0x10080] =	vst v63  }
0x2b: {  	s1 =	rddreg [dreg:$0x4];
	v3 =	vadd.s32 v1, v3  }
0x2c: {  	[tilespmem:s1], [sflag:$0x1] =	stream.indirect_vreg.gather [hbm4b:s5+s2], $0x80, v4, vm0, $0xb8;
	[tilespmem:$0x10080] =	vst v63  }
0x2d: {  	s7 =	rddreg [dreg:$0x5]  }
0x2e: {  	[tilespmem:s7], [sflag:$0x1] =	stream.indirect_vreg.gather [hbm4b:s6+s2], $0x80, v4, vm0, $0xb8;
	[tilespmem:$0x10080] =	vst v63  }
0x2f: {  	s1 =	rddreg [dreg:$0x6]  }
0x30: {  	[tilespmem:s1], [sflag:$0x1] =	stream.indirect_vreg.gather [hbm4b:s3+s2], $0x80, v3, vm0, $0xb8;
	[tilespmem:$0x10080] =	vst v63  }
0x31: {  	s7 =	rddreg [dreg:$0x7]  }
0x32: {  	[tilespmem:s7], [sflag:$0x1] =	stream.indirect_vreg.gather [hbm4b:s4+s2], $0x80, v3, vm0, $0xb8;
	[tilespmem:$0x10080] =	vst v63  }
0x33: {  	s1 =	rddreg [dreg:$0x8]  }
0x34: {  	[tilespmem:s1], [sflag:$0x1] =	stream.indirect_vreg.gather [hbm4b:s5+s2], $0x80, v3, vm0, $0xb8;
	[tilespmem:$0x10080] =	vst v63  }
0x35: {  	s7 =	rddreg [dreg:$0x9]  }
0x36: {  	[tilespmem:s7], [sflag:$0x1] =	stream.indirect_vreg.gather [hbm4b:s6+s2], $0x80, v3, vm0, $0xb8;
	[tilespmem:$0x10080] =	vst v63  }
0x37: {  	v3 =	vld [tilespmem:$0x10];
	_ =	sdelay $0x4  }
0x38: {  	v61 =	vshll.u32 v3, $0x3  }
0x39: {  	v3 =	vand.u32 $0x7, v3;
	v4 =	vand.u32 $0xFFFFFFC0, v61  }
0x3a: {  	v3 =	vor.u32 v3, v4  }
0x3b: {  	v4 =	vperm.xlane v3, v0;
	_ =	sdelay $0x1  }
0x3c: {  	v4 =	vadd.s32 v1, v4;
	_ =	sdelay $0x3  }
0x3d: {  	s1 =	rddreg [dreg:$0xa]  }
0x3e: {  	[tilespmem:s1], [sflag:$0x1] =	stream.indirect_vreg.gather [hbm4b:s3+s2], $0x80, v4, vm0, $0xb8;
	[tilespmem:$0x10080] =	vst v63  }
0x3f: {  	s7 =	rddreg [dreg:$0xb];
	v3 =	vperm.xlane v3, v2  }
0x40: {  	[tilespmem:s7], [sflag:$0x1] =	stream.indirect_vreg.gather [hbm4b:s4+s2], $0x80, v4, vm0, $0xb8;
	[tilespmem:$0x10080] =	vst v63  }
0x41: {  	v3 =	vadd.s32 v1, v3;
	s1 =	rddreg [dreg:$0xc]  }
0x42: {  	[tilespmem:s1], [sflag:$0x1] =	stream.indirect_vreg.gather [hbm4b:s5+s2], $0x80, v4, vm0, $0xb8;
	[tilespmem:$0x10080] =	vst v63  }
0x43: {  	s7 =	rddreg [dreg:$0xd]  }
0x44: {  	[tilespmem:s7], [sflag:$0x1] =	stream.indirect_vreg.gather [hbm4b:s6+s2], $0x80, v4, vm0, $0xb8;
	[tilespmem:$0x10080] =	vst v63  }
0x45: {  	s1 =	rddreg [dreg:$0xe]  }
0x46: {  	[tilespmem:s1], [sflag:$0x1] =	stream.indirect_vreg.gather [hbm4b:s3+s2], $0x80, v3, vm0, $0xb8;
	[tilespmem:$0x10080] =	vst v63  }
0x47: {  	s7 =	rddreg [dreg:$0xf]  }
0x48: {  	[tilespmem:s7], [sflag:$0x1] =	stream.indirect_vreg.gather [hbm4b:s4+s2], $0x80, v3, vm0, $0xb8;
	[tilespmem:$0x10080] =	vst v63  }
0x49: {  	_ = 	snop  }
0x4a: {  	[tilespmem:s11], [sflag:$0x1] =	stream.indirect_vreg.gather [hbm4b:s5+s2], $0x80, v3, vm0, $0xb8;
	[tilespmem:$0x10080] =	vst v63  }
0x4b: {  	_ = 	snop  }
0x4c: {  	[tilespmem:s12], [sflag:$0x1] =	stream.indirect_vreg.gather [hbm4b:s6+s2], $0x80, v3, vm0, $0xb8;
	[tilespmem:$0x10080] =	vst v63  }
0x4d: {  	v3 =	vld [tilespmem:$0x20];
	_ =	sdelay $0x4  }
0x4e: {  	v62 =	vshll.u32 v3, $0x3  }
0x4f: {  	v3 =	vand.u32 $0x7, v3;
	v4 =	vand.u32 $0xFFFFFFC0, v62  }
0x50: {  	v3 =	vor.u32 v3, v4  }
0x51: {  	v4 =	vperm.xlane v3, v0;
	_ =	sdelay $0x1  }
0x52: {  	v4 =	vadd.s32 v1, v4;
	_ =	sdelay $0x4  }
0x53: {  	[tilespmem:s13], [sflag:$0x1] =	stream.indirect_vreg.gather [hbm4b:s3+s2], $0x80, v4, vm0, $0xb8;
	[tilespmem:$0x10080] =	vst v63  }
0x54: {  	v3 =	vperm.xlane v3, v2  }
0x55: {  	[tilespmem:s14], [sflag:$0x1] =	stream.indirect_vreg.gather [hbm4b:s4+s2], $0x80, v4, vm0, $0xb8;
	[tilespmem:$0x10080] =	vst v63  }
0x56: {  	v3 =	vadd.s32 v1, v3  }
0x57: {  	[tilespmem:s15], [sflag:$0x1] =	stream.indirect_vreg.gather [hbm4b:s5+s2], $0x80, v4, vm0, $0xb8;
	[tilespmem:$0x10080] =	vst v63  }
0x58: {  	_ = 	snop  }
0x59: {  	[tilespmem:s16], [sflag:$0x1] =	stream.indirect_vreg.gather [hbm4b:s6+s2], $0x80, v4, vm0, $0xb8;
	[tilespmem:$0x10080] =	vst v63  }
0x5a: {  	_ = 	snop  }
0x5b: {  	[tilespmem:s17], [sflag:$0x1] =	stream.indirect_vreg.gather [hbm4b:s3+s2], $0x80, v3, vm0, $0xb8;
	[tilespmem:$0x10080] =	vst v63  }
0x5c: {  	_ = 	snop  }
0x5d: {  	[tilespmem:s18], [sflag:$0x1] =	stream.indirect_vreg.gather [hbm4b:s4+s2], $0x80, v3, vm0, $0xb8;
	[tilespmem:$0x10080] =	vst v63  }
0x5e: {  	_ = 	snop  }
0x5f: {  	[tilespmem:s19], [sflag:$0x1] =	stream.indirect_vreg.gather [hbm4b:s5+s2], $0x80, v3, vm0, $0xb8;
	[tilespmem:$0x10080] =	vst v63  }
0x60: {  	_ = 	snop  }
0x61: {  	[tilespmem:s20], [sflag:$0x1] =	stream.indirect_vreg.gather [hbm4b:s6+s2], $0x80, v3, vm0, $0xb8;
	[tilespmem:$0x10080] =	vst v63  }
0x62: {  	v3 =	vld [tilespmem:$0x30];
	_ =	sdelay $0x4  }
0x63: {  	v63 =	vshll.u32 v3, $0x3  }
0x64: {  	v3 =	vand.u32 $0x7, v3;
	v4 =	vand.u32 $0xFFFFFFC0, v63  }
0x65: {  	v3 =	vor.u32 v3, v4  }
0x66: {  	v4 =	vperm.xlane v3, v0;
	_ =	sdelay $0x1  }
0x67: {  	v4 =	vadd.s32 v1, v4;
	_ =	sdelay $0x4  }
0x68: {  	[tilespmem:s21], [sflag:$0x1] =	stream.indirect_vreg.gather [hbm4b:s3+s2], $0x80, v4, vm0, $0xb8;
	[tilespmem:$0x10080] =	vst v63  }
0x69: {  	v3 =	vperm.xlane v3, v2  }
0x6a: {  	[tilespmem:s22], [sflag:$0x1] =	stream.indirect_vreg.gather [hbm4b:s4+s2], $0x80, v4, vm0, $0xb8;
	[tilespmem:$0x10080] =	vst v63  }
0x6b: {  	v3 =	vadd.s32 v1, v3  }
0x6c: {  	[tilespmem:s23], [sflag:$0x1] =	stream.indirect_vreg.gather [hbm4b:s5+s2], $0x80, v4, vm0, $0xb8;
	[tilespmem:$0x10080] =	vst v63  }
0x6d: {  	_ = 	snop  }
0x6e: {  	[tilespmem:s24], [sflag:$0x1] =	stream.indirect_vreg.gather [hbm4b:s6+s2], $0x80, v4, vm0, $0xb8;
	[tilespmem:$0x10080] =	vst v63  }
0x6f: {  	_ = 	snop  }
0x70: {  	[tilespmem:s25], [sflag:$0x1] =	stream.indirect_vreg.gather [hbm4b:s3+s2], $0x80, v3, vm0, $0xb8;
	[tilespmem:$0x10080] =	vst v63  }
0x71: {  	_ = 	snop  }
0x72: {  	[tilespmem:s26], [sflag:$0x1] =	stream.indirect_vreg.gather [hbm4b:s4+s2], $0x80, v3, vm0, $0xb8;
	[tilespmem:$0x10080] =	vst v63  }
0x73: {  	_ = 	snop  }
0x74: {  	[tilespmem:s28], [sflag:$0x1] =	stream.indirect_vreg.gather [hbm4b:s5+s2], $0x80, v3, vm0, $0xb8;
	[tilespmem:$0x10080] =	vst v63  }
0x75: {  	_ = 	snop  }
0x76: {  	[tilespmem:s29], [sflag:$0x1] =	stream.indirect_vreg.gather [hbm4b:s6+s2], $0x80, v3, vm0, $0xb8;
	[tilespmem:$0x10080] =	vst v63  }
0x77: {  	_ =	swait.ge [sflag:s30], $0x10000  }
0x78: {  	p0 =	sne.s32 s0, $0x78;
	[sflag:s30] =	ssyncset.done $0x0  }
.Ltmp0:
0x79: {  	[sflag:s30] =	ssyncadd.s32 $0xFFFF0000;
	(pc) =	sbr.rel @p0 .LBB2_2-.Ltmp0, $4  }
0x7a: {  	[hbm4b:s8+s2] =	stream.linear.scatter [tilespmem:s10], [sflag:$0x2], $0x10000, $0x38;
	[tilespmem:$0x10080] =	vst v63  }
0x7b: {  	_ =	swait.ge [sflag:s9], $0x10000  }
0x7c: {  	[sflag:s9] =	ssyncset.done $0x0  }
0x7d: {  	s0 =	sadd.s32 $0x8, s0;
	s8 =	sadd.s32 $0x2000, s8;
	[sflag:s9] =	ssyncadd.s32 $0xFFFF0000  }
0x7e: {  	s31 =	sadd.s32 $0x1, s31;
	s0 =	rddreg [dreg:$0x10]  }
0x7f: {  	p0 =	sne.s32 s31, s0  }
.Ltmp1:
0x80: {  	_ = 	snop;
	(pc) =	sbr.rel @p0 .LBB2_1-.Ltmp1, $1  }
0x81: {  	_ =	sdelay $0x3  }
0x82: {  	_ =	sfence.sel $0x180000  }
0x83: {  	[bflag:$0x0] =	sbarrier.arrive $0xFFFF  }
0x84: {  	_ =	strace $0x90000050  }
0x85: {  	s0 =	stileid.u32;
	[bflag:$0x2] =	sbarrier.arrive $0xFFFF  }
0x86: {  	p0 =	sne.s32 s0, $0x0;
	s0 =	rddreg [dreg:$0x1]  }
0x87: {  	s0 =	sadd.s32 @!p0 $0x100000, s0  }
0x88: {  	[sflag:s0] =	ssyncadd.tile.s32 @!p0 $0x1;
	_ =	shalt  }
.Lfunc_end2:
_tile_overlayer_lowered:
.L_overlay_start_2:
0x89: {  	(tag) =	ssettag $0x2  }
0x8a: {  	s0 =	rddreg [dreg:$0x0];
	s2 =	stileid.u32  }
0x8b: {  	s1 =	rddreg [dreg:$0x1];
	p0 =	sne.s32 s2, $0x0  }
0x8c: {  	s3 =	rddreg [dreg:$0x2];
	[bflag:$0x3] =	sbarrier.arrive $0xFFFF;
	s2 =	simm.s32 @!p0 $0x1C02  }
0x8d: {  	[timem:s3], [sflag:s2] =	dma.local @!p0 [hbm:s0], s1  }
0x8e: {  	s0 =	simm.s32 @!p0 $0x2  }
0x8f: {  	_ =	swait.ge @!p0 [sflag:s0], s1  }
0x90: {  	s1 =	ssub.s32 @!p0 $0x0, s1;
	[sflag:s0] =	ssyncset.done @!p0 $0x0  }
0x91: {  	[sflag:s0] =	ssyncadd.s32 @!p0 s1  }
0x92: {  	[bflag:$0x3] =	sbarrier.arrive $0xFFFF  }
0x93: {  	_ =	shalt  }

// kernel: kernel.7.cloned.1.call-start
scs
__scs_entry_jumppad:
0x0: {  	(pc) =	sbr.rel $0x88, $3  }
0x1: {  	(tag) =	ssettag $0x0;
	lr =	simm.s32 $0x1  }
0x2: {  	[smem:$0x3F9A] =	sst lr;
	_ =	strace $0xD0000000  }
0x3: {  	_ = 	snop  }
0x4: {  	_ = 	snop  }
0x5: {  	_ = 	snop  }
0x6: {  	_ = 	snop  }
0x7: {  	_ = 	snop  }
__scs_overlays_trampoline_lowered:
0x8: {  	[smem:$0x3FA9] =	sst s0  }
0x9: {  	[smem:$0x3FAA] =	sst s1  }
0xa: {  	[smem:$0x3FAB] =	sst s2  }
0xb: {  	[smem:$0x3FAC] =	sst s3  }
0xc: {  	[smem:$0x3FAD] =	sst s4  }
0xd: {  	[smem:$0x3FAE] =	sst s5  }
0xe: {  	[smem:$0x3FAF] =	sst s6  }
0xf: {  	[smem:$0x3FB0] =	sst s7  }
0x10: {  	[smem:$0x3FB1] =	sst s8  }
0x11: {  	[smem:$0x3FB2] =	sst s9;
	s0 =	simm.s32 @!p0 $0x0  }
0x12: {  	s1 =	sld [smem:$0x3F98];
	s0 =	simm.s32 @p0 $0x1  }
0x13: {  	[smem:$0x3FB3] =	sst s0;
	s0 =	simm.s32 @!p1 $0x0  }
0x14: {  	s2 =	sld [smem:$0x3F97];
	s0 =	simm.s32 @p1 $0x1  }
0x15: {  	[smem:$0x3FB4] =	sst s0;
	s0 =	simm.s32 @!p2 $0x0  }
0x16: {  	s3 =	sld [smem:$0x3FDB];
	s0 =	simm.s32 @p2 $0x1  }
0x17: {  	s4 =	simm.s32 $0x1BF5;
	[smem:$0x3FB6] =	sst s0  }
0x18: {  	s0 =	sld [smem:$0x3F99];
	_ =	swait.ge [sflag:s4], $0x0  }
0x19: {  	s7 =	sld [smem:$0x3F9A]  }
0x1a: {  	s8 =	sadd.s32 $0xFFFFE003, lr  }
0x1b: {  	s9 =	sadd.s32 $0xFFFFFEF7, lr;
	s5 =	simm.s32 $0xFFFFFFFF;
	p2 =	slt.u32 s8, $0xFFFFF086  }
0x1c: {  	p1 =	slt.u32 s9, $0xF7A;
	s5 =	simm.s32 @!p2 $0x0  }
0x1d: {  	s5 =	simm.s32 @p1 $0x1;
	p0 =	seq.s32 s7, s2  }
0x1e: {  	s7 =	smul.u32 @!p0 $0xF7A, s2;
	p2 =	seq.s32 @!p0 s5, $0x0  }
0x1f: {  	s9 =	smul.u32 $0xF7A, s1;
	s8 =	simm.s32 @!p0 $0x1BF5;
	p2 =	por !p2, p0  }
0x20: {  	[sflag:s8] =	ssyncset.s32 @!p0 $0xFFFFF086;
	s6 =	sadd.s32 @!p0 s3, s7;
	s7 =	simm.s32 @!p0 $0x108  }
0x21: {  	s3 =	sadd.s32 s3, s9;
	s6 =	sadd.s32 @!p0 $0x88, s6;
	s7 =	simm.s32 @p2 $0x1082  }
0x22: {  	[simem:s7], [sflag:s8] =	dma.local @!p0 [hbm:s6], $0xF7A  }
0x23: {  	s9 =	sor.u32 $0xD0000000, s2;
	s6 =	simm.s32 $0x108;
	_ =	swait.ge @!p0 [sflag:s8], $0x0  }
0x24: {  	s3 =	sadd.s32 $0x88, s3;
	s6 =	simm.s32 @!p1 $0x1082;
	[sflag:s4] =	ssyncset.s32 $0xFFFFF086  }
0x25: {  	[simem:s6], [sflag:s4] =	dma.local [hbm:s3], $0xF7A  }
0x26: {  	[smem:$0x3F9A] =	sst s1;
	(tag) =	ssettag s2;
	_ =	strace s9  }
0x27: {  	s1 =	sld [smem:$0x3FAA]  }
0x28: {  	s2 =	sld [smem:$0x3FAB]  }
0x29: {  	s4 =	sld [smem:$0x3FAD]  }
0x2a: {  	p0 =	seq.s32 s5, $0x0;
	s5 =	sld [smem:$0x3FAE]  }
0x2b: {  	s6 =	sld [smem:$0x3FAF]  }
0x2c: {  	s7 =	sld [smem:$0x3FB0]  }
0x2d: {  	s3 =	simm.s32 $0x108;
	s8 =	sld [smem:$0x3FB1]  }
0x2e: {  	s3 =	simm.s32 @!p0 $0x1082;
	s9 =	sld [smem:$0x3FB2]  }
0x2f: {  	lr =	sadd.s32 s0, s3;
	s0 =	sld [smem:$0x3FA9]  }
0x30: {  	s3 =	sld [smem:$0x3FAC]  }
0x31: {  	[smem:$0x3FB5] =	sst s10  }
0x32: {  	s10 =	sld [smem:$0x3FB3];
	_ =	sdelay $0x3  }
0x33: {  	p0 =	seq.s32 s10, $0x1;
	s10 =	sld [smem:$0x3FB5];
	_ =	sdelay $0x3  }
0x34: {  	[smem:$0x3FB5] =	sst s10  }
0x35: {  	s10 =	sld [smem:$0x3FB4];
	_ =	sdelay $0x3  }
0x36: {  	p1 =	seq.s32 s10, $0x1;
	s10 =	sld [smem:$0x3FB5];
	_ =	sdelay $0x3  }
0x37: {  	[smem:$0x3FB5] =	sst s10  }
0x38: {  	s10 =	sld [smem:$0x3FB6]  }
0x39: {  	_ = 	snop;
	(pc) =	sbr.ind lr, $3  }
0x3a: {  	_ = 	snop  }
0x3b: {  	_ = 	snop  }
0x3c: {  	p2 =	seq.s32 s10, $0x1;
	s10 =	sld [smem:$0x3FB5]  }
0x3d: {  	_ =	shalt  }
0x3e: {  	_ =	shalt  }
0x3f: {  	_ =	shalt  }
0x40: {  	_ =	shalt  }
0x41: {  	_ =	shalt  }
0x42: {  	_ =	shalt  }
0x43: {  	_ =	shalt  }
0x44: {  	_ =	shalt  }
0x45: {  	_ =	shalt  }
0x46: {  	_ =	shalt  }
0x47: {  	_ =	shalt  }
0x48: {  	_ =	shalt  }
0x49: {  	_ =	shalt  }
0x4a: {  	_ =	shalt  }
0x4b: {  	_ =	shalt  }
0x4c: {  	_ =	shalt  }
0x4d: {  	_ =	shalt  }
0x4e: {  	_ =	shalt  }
0x4f: {  	_ =	shalt  }
0x50: {  	_ =	shalt  }
0x51: {  	_ =	shalt  }
0x52: {  	_ =	shalt  }
0x53: {  	_ =	shalt  }
0x54: {  	_ =	shalt  }
0x55: {  	_ =	shalt  }
0x56: {  	_ =	shalt  }
0x57: {  	_ =	shalt  }
0x58: {  	_ =	shalt  }
0x59: {  	_ =	shalt  }
0x5a: {  	_ =	shalt  }
0x5b: {  	_ =	shalt  }
0x5c: {  	_ =	shalt  }
0x5d: {  	_ =	shalt  }
0x5e: {  	_ =	shalt  }
0x5f: {  	_ =	shalt  }
0x60: {  	_ =	shalt  }
0x61: {  	_ =	shalt  }
0x62: {  	_ =	shalt  }
0x63: {  	_ =	shalt  }
0x64: {  	_ =	shalt  }
0x65: {  	_ =	shalt  }
0x66: {  	_ =	shalt  }
0x67: {  	_ =	shalt  }
0x68: {  	_ =	shalt  }
0x69: {  	_ =	shalt  }
0x6a: {  	_ =	shalt  }
0x6b: {  	_ =	shalt  }
0x6c: {  	_ =	shalt  }
0x6d: {  	_ =	shalt  }
0x6e: {  	_ =	shalt  }
0x6f: {  	_ =	shalt  }
0x70: {  	_ =	shalt  }
0x71: {  	_ =	shalt  }
0x72: {  	_ =	shalt  }
0x73: {  	_ =	shalt  }
0x74: {  	_ =	shalt  }
0x75: {  	_ =	shalt  }
0x76: {  	_ =	shalt  }
0x77: {  	_ =	shalt  }
0x78: {  	_ =	shalt  }
0x79: {  	_ =	shalt  }
0x7a: {  	_ =	shalt  }
0x7b: {  	_ =	shalt  }
0x7c: {  	_ =	shalt  }
0x7d: {  	_ =	shalt  }
0x7e: {  	_ =	shalt  }
0x7f: {  	_ =	shalt  }
0x80: {  	_ =	shalt  }
0x81: {  	_ =	shalt  }
0x82: {  	_ =	shalt  }
0x83: {  	_ =	shalt  }
0x84: {  	_ =	shalt  }
0x85: {  	_ =	shalt  }
0x86: {  	_ =	shalt  }
0x87: {  	_ =	shalt  }
.Lfunc_end0:
.L_simem_size_0:
called_computation.2_lowered:
.L_overlay_start_0:
0x88: {  	s2 =	sld [smem:$0x3FD9]  }
0x89: {  	s3 =	sld [smem:$0x3FFE];
	_ =	sdelay $0x1  }
0x8a: {  	s1 =	srdreg.scid  }
0x8b: {  	s0 =	sand.u32 $0x1, s1  }
0x8c: {  	s17 =	sshll.u32 s0, $0xA;
	s2 =	sadd.s32 s3, s2  }
0x8d: {  	s2 =	sadd.s32 s2, s17  }
0x8e: {  	[smem:$0x3FC1] =	sst s2  }
0x8f: {  	_ = 	snop  }
0x90: {  	s2 =	sld [smem:$0x3FC9];
	(tm) =	ssettm $0x1  }
0x91: {  	s18 =	sld [smem:$0x3FFB];
	_ =	sdelay $0x3  }
0x92: {  	_ =	strace s18  }
0x93: {  	s3 =	sld [smem:$0x3FFC];
	_ =	sdelay $0x3  }
0x94: {  	_ =	strace s3  }
0x95: {  	s3 =	sld [smem:$0x3FFD];
	_ =	sdelay $0x3  }
0x96: {  	_ =	strace s3  }
0x97: {  	_ =	strace $0x8FFFFFFF  }
0x98: {  	s19 =	sld [smem:$0x3FDB];
	_ =	sdelay $0x1  }
0x99: {  	s4 =	simm.s32 $_scs_section_size  }
0x9a: {  	s5 =	simm.s32 $_size__tile_overlayer_lowered;
	s6 =	simm.s32 $_tile_overlayer_lowered  }
0x9b: {  	s22 =	simm.s32 $0x1BFF;
	s21 =	sshll.u32 s6, $0x1;
	s3 =	sadd.s32 s4, s19  }
0x9c: {  	s7 =	simm.s32 $0x0;
	s20 =	sshll.u32 s5, $0x1;
	s5 =	sadd.s32 s21, s3  }
0x9d: {  	[timem:s7], [sflag:s22] =	dma.local [hbm:s5], s20  }
0x9e: {  	_ =	swait.ge [sflag:s22], s20  }
0x9f: {  	s4 =	ssub.s32 $0x0, s20;
	[sflag:s22] =	ssyncset.done $0x0  }
0xa0: {  	[sflag:s22] =	ssyncadd.s32 s4;
	_ =	sdelay $0x1  }
0xa1: {  	s23 =	simm.s32 $0x1B8B  }
0xa2: {  	_ =	swait.ge [sflag:s23], $0x1  }
0xa3: {  	[sflag:s23] =	ssyncset.done $0x0  }
0xa4: {  	s25 =	simm.s32 $0x1B8E;
	s24 =	sld [smem:$0x3FFE];
	[sflag:s23] =	ssyncadd.s32 $0xFFFFFFFF  }
0xa5: {  	s26 =	simm.s32 $execute0_lowered;
	[smem:$0x3FD2] =	sst s25  }
0xa6: {  	s5 =	sshll.u32 s26, $0x1;
	_ =	strace $0x8000004C;
	[dreg:$0x1] =	wrdreg $0xFFFFFFFF  }
0xa7: {  	s28 =	simm.s32 $_size_execute0_lowered;
	s3 =	sadd.s32 s3, s5;
	[dreg:$0x0] =	wrdreg $0x0  }
0xa8: {  	s5 =	sshll.u32 s28, $0x1;
	[dreg:$0x2] =	wrdreg s3  }
0xa9: {  	[dreg:$0x3] =	wrdreg s5  }
0xaa: {  	[dreg:$0x4] =	wrdreg $0xC0  }
0xab: {  	_ =	task [dreg:s7], $0x5FFFF  }
0xac: {  	[dreg:$0x1] =	wrdreg $0xFFFFFFFF  }
0xad: {  	[dreg:$0x0] =	wrdreg $0x60  }
0xae: {  	[dreg:$0x2] =	wrdreg s24  }
0xaf: {  	[dreg:$0x3] =	wrdreg s2  }
0xb0: {  	[dreg:$0x4] =	wrdreg $0x9  }
0xb1: {  	_ =	task.clear_ibuf [dreg:s7], $0x5FFFF;
	_ =	strace $0x9000004C  }
0xb2: {  	s29 =	simm.s32 $0x9;
	_ =	strace $0x8000004E  }
0xb3: {  	_ =	swait.ge [sflag:s29], $0x1  }
0xb4: {  	[sflag:s29] =	ssyncadd.s32 $0xFFFFFFFF  }
0xb5: {  	_ =	strace $0x9000004E  }
0xb6: {  	_ =	sfence  }
0xb7: {  	s30 =	sld [smem:$0x0];
	_ =	sdelay $0x2  }
0xb8: {  	s31 =	sshll.u32 s1, $0xD;
	s1 =	sshrl.u32 s1, $0x2  }
0xb9: {  	s3 =	sand.u32 $0x4000, s31;
	s1 =	sadd.s32 s1, s30  }
0xba: {  	s0 =	sor.u32 s3, s0;
	s1 =	sshll.u32 s1, $0x11  }
0xbb: {  	s0 =	sor.u32 s1, s0  }
0xbc: {  	s0 =	sadd.s32 $0x8F2B, s0  }
0xbd: {  	[sflag:s0] =	ssyncadd.remote.s32 $0x1  }
0xbe: {  	_ =	sfence.sel $0xFFFF  }
0xbf: {  	[dreg:$0x0] =	wrdreg $0xFFFFFFFF;
	(pc) =	sbr.abs _section_cstart, $3  }
0xc0: {  	[dreg:$0x1] =	wrdreg $0xFFFFFFFF  }
0xc1: {  	_ =	task.clear_ibuf [dreg:s7], $0x2FFFF;
	_ =	strace $0x9FFFFFFF  }
0xc2: {  	(tm) =	ssettm $0x7FFFFFFF  }
0xc3: {  	_ =	shalt  }
tec
execute0_lowered:
.L_overlay_start_1:
0x0: {  	(tag) =	ssettag $0x1  }
0x1: {  	s0 =	rddreg [dreg:$0x0]  }
0x2: {  	s1 =	rddreg [dreg:$0x1]  }
0x3: {  	s2 =	simm.s32 $0x0;
	s3 =	srdreg.scid;
	s7 =	stileid.u32  }
0x4: {  	s31 =	simm.s32 $0x80;
	s13 =	simm.s32 $0x2;
	s24 =	simm.s32 $0xF900  }
0x5: {  	s25 =	simm.s32 $0x1;
	[smem:$0x7FF] =	sst s2;
	s3 =	sand.u32 $0x1, s3  }
0x6: {  	s4 =	sadd.s32 $0x7000, s0;
	s7 =	sshll.u32 s7, $0x8;
	s8 =	sadd.s32 $0x7100, s0  }
0x7: {  	s11 =	sadd.s32 $0x7300, s0;
	_ =	strace $0x8000004D;
	s5 =	ssub.s32 $0x2, s3  }
0x8: {  	s3 =	sshll.u32 s3, $0x7;
	s10 =	sadd.s32 s7, s0;
	s7 =	sadd.s32 $0x300, s1  }
0x9: {  	[dreg:$0x4] =	wrdreg s31;
	s6 =	sshrl.u32 s5, $0x1;
	s29 =	sadd.s32 s3, s10  }
0xa: {  	v2 =	vlaneseq.u32;
	s10 =	sadd.s32 $0x7200, s0;
	s9 =	ssub.s32 s5, s6;
	s28 =	sadd.s32 $0x6000, s29  }
0xb: {  	vm0 =	vmmov $0xffff;
	v1 =	vshrl.u32 v2, $0x3;
	s0 =	simm.s32 $0x0;
	s30 =	smax.u32 s9, $0x1;
	[dreg:$0x3] =	wrdreg s28  }
0xc: {  	v0 =	vand.u32 $0x7, v2;
	v2 =	vor.u32 $0x8, v2;
	v1 =	vmul.u32 $0x8, v1;
	s5 =	sadd.s32 $0x100, s1;
	s6 =	sadd.s32 $0x200, s1;
	[dreg:$0x5] =	wrdreg s30  }
.LBB2_1:
0xd: {  	[dreg:$0x6] =	wrdreg s0;
	s26 =	simm.s32 $0x0  }
.LBB2_2:
0xe: {  	s28 =	rddreg [dreg:$0x3]  }
0xf: {  	s28 =	sadd.s32 s26, s28  }
0x10: {  	[tilespmem:s2], [sflag:$0x2] =	stream.linear.gather [hbm4b:s28+s2], $0x40, $0x38;
	[tilespmem:$0x10100] =	vst v63  }
0x11: {  	_ =	swait.ge [sflag:s13], $0x40  }
0x12: {  	s30 =	smov.u32 s29;
	[sflag:s13] =	ssyncset.done $0x0  }
0x13: {  	s29 =	sadd.s32 s26, s29;
	s28 =	rddreg [dreg:$0x4];
	[sflag:s13] =	ssyncadd.s32 $0xFFFFFFC0  }
0x14: {  	[tilespmem:s28], [sflag:$0x2] =	stream.linear.gather [hbm4b:s29+s2], $0x40, $0x38;
	[tilespmem:$0x10100] =	vst v63  }
0x15: {  	_ =	swait.ge [sflag:s13], $0x40  }
0x16: {  	[sflag:s13] =	ssyncset.done $0x0  }
0x17: {  	[sflag:s13] =	ssyncadd.s32 $0xFFFFFFC0  }
0x18: {  	v3 =	vld [tilespmem:$0x0];
	_ =	sdelay $0x4  }
0x19: {  	v4 =	vshll.u32 v3, $0x3  }
0x1a: {  	v3 =	vand.u32 $0x7, v3;
	v4 =	vand.u32 $0xFFFFFFC0, v4  }
0x1b: {  	v3 =	vor.u32 v3, v4  }
0x1c: {  	v4 =	vperm.xlane v3, v0;
	_ =	sdelay $0x1  }
0x1d: {  	v4 =	vadd.s32 v1, v4;
	_ =	sdelay $0x3  }
0x1e: {  	s28 =	simm.s32 $0x100  }
0x1f: {  	[tilespmem:s28], [sflag:$0x1] =	stream.indirect_vreg.gather [hbm4b:s1+s2], $0x80, v4, vm0, $0xb8;
	[tilespmem:$0x10100] =	vst v63  }
0x20: {  	s29 =	smov.u32 s30;
	s30 =	simm.s32 $0x900;
	v3 =	vperm.xlane v3, v2  }
0x21: {  	[tilespmem:s30], [sflag:$0x1] =	stream.indirect_vreg.gather [hbm4b:s5+s2], $0x80, v4, vm0, $0xb8;
	[tilespmem:$0x10100] =	vst v63  }
0x22: {  	s31 =	simm.s32 $0x1100;
	v3 =	vadd.s32 v1, v3  }
0x23: {  	[tilespmem:s31], [sflag:$0x1] =	stream.indirect_vreg.gather [hbm4b:s6+s2], $0x80, v4, vm0, $0xb8;
	[tilespmem:$0x10100] =	vst v63  }
0x24: {  	s31 =	simm.s32 $0x1900  }
0x25: {  	[tilespmem:s31], [sflag:$0x1] =	stream.indirect_vreg.gather [hbm4b:s7+s2], $0x80, v4, vm0, $0xb8;
	[tilespmem:$0x10100] =	vst v63  }
0x26: {  	s0 =	simm.s32 $0x2100  }
0x27: {  	[tilespmem:s0], [sflag:$0x1] =	stream.indirect_vreg.gather [hbm4b:s1+s2], $0x80, v3, vm0, $0xb8;
	[tilespmem:$0x10100] =	vst v63  }
0x28: {  	s3 =	simm.s32 $0x2900  }
0x29: {  	[tilespmem:s3], [sflag:$0x1] =	stream.indirect_vreg.gather [hbm4b:s5+s2], $0x80, v3, vm0, $0xb8;
	[tilespmem:$0x10100] =	vst v63  }
0x2a: {  	s3 =	simm.s32 $0x3100  }
0x2b: {  	[tilespmem:s3], [sflag:$0x1] =	stream.indirect_vreg.gather [hbm4b:s6+s2], $0x80, v3, vm0, $0xb8;
	[tilespmem:$0x10100] =	vst v63  }
0x2c: {  	s12 =	simm.s32 $0x3900  }
0x2d: {  	[tilespmem:s12], [sflag:$0x1] =	stream.indirect_vreg.gather [hbm4b:s7+s2], $0x80, v3, vm0, $0xb8;
	[tilespmem:$0x10100] =	vst v63  }
0x2e: {  	v3 =	vld [tilespmem:$0x10];
	_ =	sdelay $0x4  }
0x2f: {  	v57 =	vshll.u32 v3, $0x3  }
0x30: {  	v3 =	vand.u32 $0x7, v3;
	v4 =	vand.u32 $0xFFFFFFC0, v57  }
0x31: {  	v3 =	vor.u32 v3, v4  }
0x32: {  	v4 =	vperm.xlane v3, v0;
	_ =	sdelay $0x1  }
0x33: {  	v4 =	vadd.s32 v1, v4;
	_ =	sdelay $0x3  }
0x34: {  	s12 =	simm.s32 $0x4100  }
0x35: {  	[tilespmem:s12], [sflag:$0x1] =	stream.indirect_vreg.gather [hbm4b:s1+s2], $0x80, v4, vm0, $0xb8;
	[tilespmem:$0x10100] =	vst v63  }
0x36: {  	s9 =	simm.s32 $0x4900;
	v3 =	vperm.xlane v3, v2  }
0x37: {  	[tilespmem:s9], [sflag:$0x1] =	stream.indirect_vreg.gather [hbm4b:s5+s2], $0x80, v4, vm0, $0xb8;
	[tilespmem:$0x10100] =	vst v63  }
0x38: {  	v3 =	vadd.s32 v1, v3;
	s9 =	simm.s32 $0x5100  }
0x39: {  	[tilespmem:s9], [sflag:$0x1] =	stream.indirect_vreg.gather [hbm4b:s6+s2], $0x80, v4, vm0, $0xb8;
	[tilespmem:$0x10100] =	vst v63  }
0x3a: {  	s14 =	simm.s32 $0x5900  }
0x3b: {  	[tilespmem:s14], [sflag:$0x1] =	stream.indirect_vreg.gather [hbm4b:s7+s2], $0x80, v4, vm0, $0xb8;
	[tilespmem:$0x10100] =	vst v63  }
0x3c: {  	s14 =	simm.s32 $0x6100  }
0x3d: {  	[tilespmem:s14], [sflag:$0x1] =	stream.indirect_vreg.gather [hbm4b:s1+s2], $0x80, v3, vm0, $0xb8;
	[tilespmem:$0x10100] =	vst v63  }
0x3e: {  	s15 =	simm.s32 $0x6900  }
0x3f: {  	[tilespmem:s15], [sflag:$0x1] =	stream.indirect_vreg.gather [hbm4b:s5+s2], $0x80, v3, vm0, $0xb8;
	[tilespmem:$0x10100] =	vst v63  }
0x40: {  	s15 =	simm.s32 $0x7100  }
0x41: {  	[tilespmem:s15], [sflag:$0x1] =	stream.indirect_vreg.gather [hbm4b:s6+s2], $0x80, v3, vm0, $0xb8;
	[tilespmem:$0x10100] =	vst v63  }
0x42: {  	s16 =	simm.s32 $0x7900  }
0x43: {  	[tilespmem:s16], [sflag:$0x1] =	stream.indirect_vreg.gather [hbm4b:s7+s2], $0x80, v3, vm0, $0xb8;
	[tilespmem:$0x10100] =	vst v63  }
0x44: {  	v3 =	vld [tilespmem:$0x20];
	_ =	sdelay $0x4  }
0x45: {  	v58 =	vshll.u32 v3, $0x3  }
0x46: {  	v3 =	vand.u32 $0x7, v3;
	v4 =	vand.u32 $0xFFFFFFC0, v58  }
0x47: {  	v3 =	vor.u32 v3, v4  }
0x48: {  	v4 =	vperm.xlane v3, v0;
	_ =	sdelay $0x1  }
0x49: {  	v4 =	vadd.s32 v1, v4;
	_ =	sdelay $0x3  }
0x4a: {  	s16 =	simm.s32 $0x8100  }
0x4b: {  	[tilespmem:s16], [sflag:$0x1] =	stream.indirect_vreg.gather [hbm4b:s1+s2], $0x80, v4, vm0, $0xb8;
	[tilespmem:$0x10100] =	vst v63  }
0x4c: {  	s17 =	simm.s32 $0x8900;
	v3 =	vperm.xlane v3, v2  }
0x4d: {  	[tilespmem:s17], [sflag:$0x1] =	stream.indirect_vreg.gather [hbm4b:s5+s2], $0x80, v4, vm0, $0xb8;
	[tilespmem:$0x10100] =	vst v63  }
0x4e: {  	v3 =	vadd.s32 v1, v3;
	s17 =	simm.s32 $0x9100  }
0x4f: {  	[tilespmem:s17], [sflag:$0x1] =	stream.indirect_vreg.gather [hbm4b:s6+s2], $0x80, v4, vm0, $0xb8;
	[tilespmem:$0x10100] =	vst v63  }
0x50: {  	s18 =	simm.s32 $0x9900  }
0x51: {  	[tilespmem:s18], [sflag:$0x1] =	stream.indirect_vreg.gather [hbm4b:s7+s2], $0x80, v4, vm0, $0xb8;
	[tilespmem:$0x10100] =	vst v63  }
0x52: {  	s18 =	simm.s32 $0xA100  }
0x53: {  	[tilespmem:s18], [sflag:$0x1] =	stream.indirect_vreg.gather [hbm4b:s1+s2], $0x80, v3, vm0, $0xb8;
	[tilespmem:$0x10100] =	vst v63  }
0x54: {  	s19 =	simm.s32 $0xA900  }
0x55: {  	[tilespmem:s19], [sflag:$0x1] =	stream.indirect_vreg.gather [hbm4b:s5+s2], $0x80, v3, vm0, $0xb8;
	[tilespmem:$0x10100] =	vst v63  }
0x56: {  	s19 =	simm.s32 $0xB100  }
0x57: {  	[tilespmem:s19], [sflag:$0x1] =	stream.indirect_vreg.gather [hbm4b:s6+s2], $0x80, v3, vm0, $0xb8;
	[tilespmem:$0x10100] =	vst v63  }
0x58: {  	s20 =	simm.s32 $0xB900  }
0x59: {  	[tilespmem:s20], [sflag:$0x1] =	stream.indirect_vreg.gather [hbm4b:s7+s2], $0x80, v3, vm0, $0xb8;
	[tilespmem:$0x10100] =	vst v63  }
0x5a: {  	v3 =	vld [tilespmem:$0x30];
	_ =	sdelay $0x4  }
0x5b: {  	v59 =	vshll.u32 v3, $0x3  }
0x5c: {  	v3 =	vand.u32 $0x7, v3;
	v4 =	vand.u32 $0xFFFFFFC0, v59  }
0x5d: {  	v3 =	vor.u32 v3, v4  }
0x5e: {  	v4 =	vperm.xlane v3, v0;
	_ =	sdelay $0x1  }
0x5f: {  	v4 =	vadd.s32 v1, v4;
	_ =	sdelay $0x3  }
0x60: {  	s20 =	simm.s32 $0xC100  }
0x61: {  	[tilespmem:s20], [sflag:$0x1] =	stream.indirect_vreg.gather [hbm4b:s1+s2], $0x80, v4, vm0, $0xb8;
	[tilespmem:$0x10100] =	vst v63  }
0x62: {  	s21 =	simm.s32 $0xC900;
	v3 =	vperm.xlane v3, v2  }
0x63: {  	[tilespmem:s21], [sflag:$0x1] =	stream.indirect_vreg.gather [hbm4b:s5+s2], $0x80, v4, vm0, $0xb8;
	[tilespmem:$0x10100] =	vst v63  }
0x64: {  	v3 =	vadd.s32 v1, v3;
	s21 =	simm.s32 $0xD100  }
0x65: {  	[tilespmem:s21], [sflag:$0x1] =	stream.indirect_vreg.gather [hbm4b:s6+s2], $0x80, v4, vm0, $0xb8;
	[tilespmem:$0x10100] =	vst v63  }
0x66: {  	s22 =	simm.s32 $0xD900  }
0x67: {  	[tilespmem:s22], [sflag:$0x1] =	stream.indirect_vreg.gather [hbm4b:s7+s2], $0x80, v4, vm0, $0xb8;
	[tilespmem:$0x10100] =	vst v63  }
0x68: {  	s22 =	simm.s32 $0xE100  }
0x69: {  	[tilespmem:s22], [sflag:$0x1] =	stream.indirect_vreg.gather [hbm4b:s1+s2], $0x80, v3, vm0, $0xb8;
	[tilespmem:$0x10100] =	vst v63  }
0x6a: {  	s23 =	simm.s32 $0xE900  }
0x6b: {  	[tilespmem:s23], [sflag:$0x1] =	stream.indirect_vreg.gather [hbm4b:s5+s2], $0x80, v3, vm0, $0xb8;
	[tilespmem:$0x10100] =	vst v63  }
0x6c: {  	s23 =	simm.s32 $0xF100  }
0x6d: {  	[tilespmem:s23], [sflag:$0x1] =	stream.indirect_vreg.gather [hbm4b:s6+s2], $0x80, v3, vm0, $0xb8;
	[tilespmem:$0x10100] =	vst v63  }
0x6e: {  	_ = 	snop  }
0x6f: {  	[tilespmem:s24], [sflag:$0x1] =	stream.indirect_vreg.gather [hbm4b:s7+s2], $0x80, v3, vm0, $0xb8;
	[tilespmem:$0x10100] =	vst v63  }
0x70: {  	_ =	swait.ge [sflag:s25], $0x10000  }
0x71: {  	[sflag:s25] =	ssyncset.done $0x0  }
0x72: {  	[sflag:s25] =	ssyncadd.s32 $0xFFFF0000  }
0x73: {  	v3 =	vld [tilespmem:$0x80];
	_ =	sdelay $0x4  }
0x74: {  	v60 =	vshll.u32 v3, $0x3  }
0x75: {  	v3 =	vand.u32 $0x7, v3;
	v4 =	vand.u32 $0xFFFFFFC0, v60  }
0x76: {  	v3 =	vor.u32 v3, v4  }
0x77: {  	v4 =	vperm.xlane v3, v0;
	_ =	sdelay $0x1  }
0x78: {  	v4 =	vadd.s32 v1, v4;
	_ =	sdelay $0x4  }
0x79: {  	[hbm4b:s4+s2] =	stream.indirect_vreg.scatter [tilespmem:s28], [sflag:$0x1], $0x80, v4, vm0, $0xb8;
	[tilespmem:$0x10100] =	vst v63  }
0x7a: {  	v3 =	vperm.xlane v3, v2  }
0x7b: {  	[hbm4b:s8+s2] =	stream.indirect_vreg.scatter [tilespmem:s30], [sflag:$0x1], $0x80, v4, vm0, $0xb8;
	[tilespmem:$0x10100] =	vst v63  }
0x7c: {  	s0 =	simm.s32 $0x1100;
	v3 =	vadd.s32 v1, v3  }
0x7d: {  	[hbm4b:s10+s2] =	stream.indirect_vreg.scatter [tilespmem:s0], [sflag:$0x1], $0x80, v4, vm0, $0xb8;
	[tilespmem:$0x10100] =	vst v63  }
0x7e: {  	_ = 	snop  }
0x7f: {  	[hbm4b:s11+s2] =	stream.indirect_vreg.scatter [tilespmem:s31], [sflag:$0x1], $0x80, v4, vm0, $0xb8;
	[tilespmem:$0x10100] =	vst v63  }
0x80: {  	s30 =	simm.s32 $0x2100  }
0x81: {  	[hbm4b:s4+s2] =	stream.indirect_vreg.scatter [tilespmem:s30], [sflag:$0x1], $0x80, v3, vm0, $0xb8;
	[tilespmem:$0x10100] =	vst v63  }
0x82: {  	s28 =	simm.s32 $0x2900  }
0x83: {  	[hbm4b:s8+s2] =	stream.indirect_vreg.scatter [tilespmem:s28], [sflag:$0x1], $0x80, v3, vm0, $0xb8;
	[tilespmem:$0x10100] =	vst v63  }
0x84: {  	_ = 	snop  }
0x85: {  	[hbm4b:s10+s2] =	stream.indirect_vreg.scatter [tilespmem:s3], [sflag:$0x1], $0x80, v3, vm0, $0xb8;
	[tilespmem:$0x10100] =	vst v63  }
0x86: {  	s30 =	simm.s32 $0x3900  }
0x87: {  	[hbm4b:s11+s2] =	stream.indirect_vreg.scatter [tilespmem:s30], [sflag:$0x1], $0x80, v3, vm0, $0xb8;
	[tilespmem:$0x10100] =	vst v63  }
0x88: {  	v3 =	vld [tilespmem:$0x90];
	_ =	sdelay $0x4  }
0x89: {  	v61 =	vshll.u32 v3, $0x3  }
0x8a: {  	v3 =	vand.u32 $0x7, v3;
	v4 =	vand.u32 $0xFFFFFFC0, v61  }
0x8b: {  	v3 =	vor.u32 v3, v4  }
0x8c: {  	v4 =	vperm.xlane v3, v0;
	_ =	sdelay $0x1  }
0x8d: {  	v4 =	vadd.s32 v1, v4;
	_ =	sdelay $0x4  }
0x8e: {  	[hbm4b:s4+s2] =	stream.indirect_vreg.scatter [tilespmem:s12], [sflag:$0x1], $0x80, v4, vm0, $0xb8;
	[tilespmem:$0x10100] =	vst v63  }
0x8f: {  	s31 =	simm.s32 $0x4900;
	v3 =	vperm.xlane v3, v2  }
0x90: {  	[hbm4b:s8+s2] =	stream.indirect_vreg.scatter [tilespmem:s31], [sflag:$0x1], $0x80, v4, vm0, $0xb8;
	[tilespmem:$0x10100] =	vst v63  }
0x91: {  	v3 =	vadd.s32 v1, v3  }
0x92: {  	[hbm4b:s10+s2] =	stream.indirect_vreg.scatter [tilespmem:s9], [sflag:$0x1], $0x80, v4, vm0, $0xb8;
	[tilespmem:$0x10100] =	vst v63  }
0x93: {  	s3 =	simm.s32 $0x5900  }
0x94: {  	[hbm4b:s11+s2] =	stream.indirect_vreg.scatter [tilespmem:s3], [sflag:$0x1], $0x80, v4, vm0, $0xb8;
	[tilespmem:$0x10100] =	vst v63  }
0x95: {  	_ = 	snop  }
0x96: {  	[hbm4b:s4+s2] =	stream.indirect_vreg.scatter [tilespmem:s14], [sflag:$0x1], $0x80, v3, vm0, $0xb8;
	[tilespmem:$0x10100] =	vst v63  }
0x97: {  	s12 =	simm.s32 $0x6900  }
0x98: {  	[hbm4b:s8+s2] =	stream.indirect_vreg.scatter [tilespmem:s12], [sflag:$0x1], $0x80, v3, vm0, $0xb8;
	[tilespmem:$0x10100] =	vst v63  }
0x99: {  	_ = 	snop  }
0x9a: {  	[hbm4b:s10+s2] =	stream.indirect_vreg.scatter [tilespmem:s15], [sflag:$0x1], $0x80, v3, vm0, $0xb8;
	[tilespmem:$0x10100] =	vst v63  }
0x9b: {  	s14 =	simm.s32 $0x7900  }
0x9c: {  	[hbm4b:s11+s2] =	stream.indirect_vreg.scatter [tilespmem:s14], [sflag:$0x1], $0x80, v3, vm0, $0xb8;
	[tilespmem:$0x10100] =	vst v63  }
0x9d: {  	v3 =	vld [tilespmem:$0xA0];
	_ =	sdelay $0x4  }
0x9e: {  	v62 =	vshll.u32 v3, $0x3  }
0x9f: {  	v3 =	vand.u32 $0x7, v3;
	v4 =	vand.u32 $0xFFFFFFC0, v62  }
0xa0: {  	v3 =	vor.u32 v3, v4  }
0xa1: {  	v4 =	vperm.xlane v3, v0;
	_ =	sdelay $0x1  }
0xa2: {  	v4 =	vadd.s32 v1, v4;
	_ =	sdelay $0x4  }
0xa3: {  	[hbm4b:s4+s2] =	stream.indirect_vreg.scatter [tilespmem:s16], [sflag:$0x1], $0x80, v4, vm0, $0xb8;
	[tilespmem:$0x10100] =	vst v63  }
0xa4: {  	s15 =	simm.s32 $0x8900;
	v3 =	vperm.xlane v3, v2  }
0xa5: {  	[hbm4b:s8+s2] =	stream.indirect_vreg.scatter [tilespmem:s15], [sflag:$0x1], $0x80, v4, vm0, $0xb8;
	[tilespmem:$0x10100] =	vst v63  }
0xa6: {  	v3 =	vadd.s32 v1, v3  }
0xa7: {  	[hbm4b:s10+s2] =	stream.indirect_vreg.scatter [tilespmem:s17], [sflag:$0x1], $0x80, v4, vm0, $0xb8;
	[tilespmem:$0x10100] =	vst v63  }
0xa8: {  	s16 =	simm.s32 $0x9900  }
0xa9: {  	[hbm4b:s11+s2] =	stream.indirect_vreg.scatter [tilespmem:s16], [sflag:$0x1], $0x80, v4, vm0, $0xb8;
	[tilespmem:$0x10100] =	vst v63  }
0xaa: {  	_ = 	snop  }
0xab: {  	[hbm4b:s4+s2] =	stream.indirect_vreg.scatter [tilespmem:s18], [sflag:$0x1], $0x80, v3, vm0, $0xb8;
	[tilespmem:$0x10100] =	vst v63  }
0xac: {  	s17 =	simm.s32 $0xA900  }
0xad: {  	[hbm4b:s8+s2] =	stream.indirect_vreg.scatter [tilespmem:s17], [sflag:$0x1], $0x80, v3, vm0, $0xb8;
	[tilespmem:$0x10100] =	vst v63  }
0xae: {  	_ = 	snop  }
0xaf: {  	[hbm4b:s10+s2] =	stream.indirect_vreg.scatter [tilespmem:s19], [sflag:$0x1], $0x80, v3, vm0, $0xb8;
	[tilespmem:$0x10100] =	vst v63  }
0xb0: {  	s18 =	simm.s32 $0xB900  }
0xb1: {  	[hbm4b:s11+s2] =	stream.indirect_vreg.scatter [tilespmem:s18], [sflag:$0x1], $0x80, v3, vm0, $0xb8;
	[tilespmem:$0x10100] =	vst v63  }
0xb2: {  	v3 =	vld [tilespmem:$0xB0];
	_ =	sdelay $0x4  }
0xb3: {  	v63 =	vshll.u32 v3, $0x3  }
0xb4: {  	v3 =	vand.u32 $0x7, v3;
	v4 =	vand.u32 $0xFFFFFFC0, v63  }
0xb5: {  	v3 =	vor.u32 v3, v4  }
0xb6: {  	v4 =	vperm.xlane v3, v0;
	_ =	sdelay $0x1  }
0xb7: {  	v4 =	vadd.s32 v1, v4;
	_ =	sdelay $0x4  }
0xb8: {  	[hbm4b:s4+s2] =	stream.indirect_vreg.scatter [tilespmem:s20], [sflag:$0x1], $0x80, v4, vm0, $0xb8;
	[tilespmem:$0x10100] =	vst v63  }
0xb9: {  	s28 =	simm.s32 $0xC900;
	v3 =	vperm.xlane v3, v2  }
0xba: {  	[hbm4b:s8+s2] =	stream.indirect_vreg.scatter [tilespmem:s28], [sflag:$0x1], $0x80, v4, vm0, $0xb8;
	[tilespmem:$0x10100] =	vst v63  }
0xbb: {  	v3 =	vadd.s32 v1, v3  }
0xbc: {  	[hbm4b:s10+s2] =	stream.indirect_vreg.scatter [tilespmem:s21], [sflag:$0x1], $0x80, v4, vm0, $0xb8;
	[tilespmem:$0x10100] =	vst v63  }
0xbd: {  	s30 =	simm.s32 $0xD900  }
0xbe: {  	[hbm4b:s11+s2] =	stream.indirect_vreg.scatter [tilespmem:s30], [sflag:$0x1], $0x80, v4, vm0, $0xb8;
	[tilespmem:$0x10100] =	vst v63  }
0xbf: {  	_ = 	snop  }
0xc0: {  	[hbm4b:s4+s2] =	stream.indirect_vreg.scatter [tilespmem:s22], [sflag:$0x1], $0x80, v3, vm0, $0xb8;
	[tilespmem:$0x10100] =	vst v63  }
0xc1: {  	s31 =	simm.s32 $0xE900  }
0xc2: {  	[hbm4b:s8+s2] =	stream.indirect_vreg.scatter [tilespmem:s31], [sflag:$0x1], $0x80, v3, vm0, $0xb8;
	[tilespmem:$0x10100] =	vst v63  }
0xc3: {  	p0 =	sne.s32 s26, $0x78  }
0xc4: {  	[hbm4b:s10+s2] =	stream.indirect_vreg.scatter [tilespmem:s23], [sflag:$0x1], $0x80, v3, vm0, $0xb8;
	[tilespmem:$0x10100] =	vst v63  }
.Ltmp0:
0xc5: {  	_ = 	snop;
	(pc) =	sbr.rel @p0 .LBB2_2-.Ltmp0, $4  }
0xc6: {  	[hbm4b:s11+s2] =	stream.indirect_vreg.scatter [tilespmem:s24], [sflag:$0x1], $0x80, v3, vm0, $0xb8;
	[tilespmem:$0x10100] =	vst v63  }
0xc7: {  	_ =	swait.ge [sflag:s25], $0x10000  }
0xc8: {  	[sflag:s25] =	ssyncset.done $0x0  }
0xc9: {  	s26 =	sadd.s32 $0x8, s26;
	[sflag:s25] =	ssyncadd.s32 $0xFFFF0000  }
0xca: {  	s0 =	rddreg [dreg:$0x6]  }
0xcb: {  	s26 =	rddreg [dreg:$0x5];
	s0 =	sadd.s32 $0x1, s0  }
0xcc: {  	p0 =	sne.s32 s0, s26  }
.Ltmp1:
0xcd: {  	_ = 	snop;
	(pc) =	sbr.rel @p0 .LBB2_1-.Ltmp1, $1  }
0xce: {  	_ =	sdelay $0x3  }
0xcf: {  	_ =	sfence.sel $0x180000  }
0xd0: {  	[bflag:$0x0] =	sbarrier.arrive $0xFFFF  }
0xd1: {  	_ =	strace $0x9000004D  }
0xd2: {  	s0 =	stileid.u32;
	[bflag:$0x2] =	sbarrier.arrive $0xFFFF  }
0xd3: {  	p0 =	sne.s32 s0, $0x0;
	s0 =	rddreg [dreg:$0x2]  }
0xd4: {  	s0 =	sadd.s32 @!p0 $0x100000, s0  }
0xd5: {  	[sflag:s0] =	ssyncadd.tile.s32 @!p0 $0x1;
	_ =	shalt  }
.Lfunc_end2:
_tile_overlayer_lowered:
.L_overlay_start_2:
0xd6: {  	(tag) =	ssettag $0x2  }
0xd7: {  	s0 =	rddreg [dreg:$0x0];
	s2 =	stileid.u32  }
0xd8: {  	s1 =	rddreg [dreg:$0x1];
	p0 =	sne.s32 s2, $0x0  }
0xd9: {  	s3 =	rddreg [dreg:$0x2];
	[bflag:$0x3] =	sbarrier.arrive $0xFFFF;
	s2 =	simm.s32 @!p0 $0x1C02  }
0xda: {  	[timem:s3], [sflag:s2] =	dma.local @!p0 [hbm:s0], s1  }
0xdb: {  	s0 =	simm.s32 @!p0 $0x2  }
0xdc: {  	_ =	swait.ge @!p0 [sflag:s0], s1  }
0xdd: {  	s1 =	ssub.s32 @!p0 $0x0, s1;
	[sflag:s0] =	ssyncset.done @!p0 $0x0  }
0xde: {  	[sflag:s0] =	ssyncadd.s32 @!p0 s1  }
0xdf: {  	[bflag:$0x3] =	sbarrier.arrive $0xFFFF  }
0xe0: {  	_ =	shalt  }

// kernel: scatter_offload_async_start
scs
__scs_entry_jumppad:
0x0: {  	(pc) =	sbr.rel $0x88, $3  }
0x1: {  	(tag) =	ssettag $0x0;
	lr =	simm.s32 $0x1  }
0x2: {  	[smem:$0x3F9A] =	sst lr;
	_ =	strace $0xD0000000  }
0x3: {  	_ = 	snop  }
0x4: {  	_ = 	snop  }
0x5: {  	_ = 	snop  }
0x6: {  	_ = 	snop  }
0x7: {  	_ = 	snop  }
__scs_overlays_trampoline_lowered:
0x8: {  	[smem:$0x3FA9] =	sst s0  }
0x9: {  	[smem:$0x3FAA] =	sst s1  }
0xa: {  	[smem:$0x3FAB] =	sst s2  }
0xb: {  	[smem:$0x3FAC] =	sst s3  }
0xc: {  	[smem:$0x3FAD] =	sst s4  }
0xd: {  	[smem:$0x3FAE] =	sst s5  }
0xe: {  	[smem:$0x3FAF] =	sst s6  }
0xf: {  	[smem:$0x3FB0] =	sst s7  }
0x10: {  	[smem:$0x3FB1] =	sst s8  }
0x11: {  	[smem:$0x3FB2] =	sst s9;
	s0 =	simm.s32 @!p0 $0x0  }
0x12: {  	s1 =	sld [smem:$0x3F98];
	s0 =	simm.s32 @p0 $0x1  }
0x13: {  	[smem:$0x3FB3] =	sst s0;
	s0 =	simm.s32 @!p1 $0x0  }
0x14: {  	s2 =	sld [smem:$0x3F97];
	s0 =	simm.s32 @p1 $0x1  }
0x15: {  	[smem:$0x3FB4] =	sst s0;
	s0 =	simm.s32 @!p2 $0x0  }
0x16: {  	s3 =	sld [smem:$0x3FDB];
	s0 =	simm.s32 @p2 $0x1  }
0x17: {  	s4 =	simm.s32 $0x1BF5;
	[smem:$0x3FB6] =	sst s0  }
0x18: {  	s0 =	sld [smem:$0x3F99];
	_ =	swait.ge [sflag:s4], $0x0  }
0x19: {  	s7 =	sld [smem:$0x3F9A]  }
0x1a: {  	s8 =	sadd.s32 $0xFFFFE003, lr  }
0x1b: {  	s9 =	sadd.s32 $0xFFFFFEF7, lr;
	s5 =	simm.s32 $0xFFFFFFFF;
	p2 =	slt.u32 s8, $0xFFFFF086  }
0x1c: {  	p1 =	slt.u32 s9, $0xF7A;
	s5 =	simm.s32 @!p2 $0x0  }
0x1d: {  	s5 =	simm.s32 @p1 $0x1;
	p0 =	seq.s32 s7, s2  }
0x1e: {  	s7 =	smul.u32 @!p0 $0xF7A, s2;
	p2 =	seq.s32 @!p0 s5, $0x0  }
0x1f: {  	s9 =	smul.u32 $0xF7A, s1;
	s8 =	simm.s32 @!p0 $0x1BF5;
	p2 =	por !p2, p0  }
0x20: {  	[sflag:s8] =	ssyncset.s32 @!p0 $0xFFFFF086;
	s6 =	sadd.s32 @!p0 s3, s7;
	s7 =	simm.s32 @!p0 $0x108  }
0x21: {  	s3 =	sadd.s32 s3, s9;
	s6 =	sadd.s32 @!p0 $0x88, s6;
	s7 =	simm.s32 @p2 $0x1082  }
0x22: {  	[simem:s7], [sflag:s8] =	dma.local @!p0 [hbm:s6], $0xF7A  }
0x23: {  	s9 =	sor.u32 $0xD0000000, s2;
	s6 =	simm.s32 $0x108;
	_ =	swait.ge @!p0 [sflag:s8], $0x0  }
0x24: {  	s3 =	sadd.s32 $0x88, s3;
	s6 =	simm.s32 @!p1 $0x1082;
	[sflag:s4] =	ssyncset.s32 $0xFFFFF086  }
0x25: {  	[simem:s6], [sflag:s4] =	dma.local [hbm:s3], $0xF7A  }
0x26: {  	[smem:$0x3F9A] =	sst s1;
	(tag) =	ssettag s2;
	_ =	strace s9  }
0x27: {  	s1 =	sld [smem:$0x3FAA]  }
0x28: {  	s2 =	sld [smem:$0x3FAB]  }
0x29: {  	s4 =	sld [smem:$0x3FAD]  }
0x2a: {  	p0 =	seq.s32 s5, $0x0;
	s5 =	sld [smem:$0x3FAE]  }
0x2b: {  	s6 =	sld [smem:$0x3FAF]  }
0x2c: {  	s7 =	sld [smem:$0x3FB0]  }
0x2d: {  	s3 =	simm.s32 $0x108;
	s8 =	sld [smem:$0x3FB1]  }
0x2e: {  	s3 =	simm.s32 @!p0 $0x1082;
	s9 =	sld [smem:$0x3FB2]  }
0x2f: {  	lr =	sadd.s32 s0, s3;
	s0 =	sld [smem:$0x3FA9]  }
0x30: {  	s3 =	sld [smem:$0x3FAC]  }
0x31: {  	[smem:$0x3FB5] =	sst s10  }
0x32: {  	s10 =	sld [smem:$0x3FB3];
	_ =	sdelay $0x3  }
0x33: {  	p0 =	seq.s32 s10, $0x1;
	s10 =	sld [smem:$0x3FB5];
	_ =	sdelay $0x3  }
0x34: {  	[smem:$0x3FB5] =	sst s10  }
0x35: {  	s10 =	sld [smem:$0x3FB4];
	_ =	sdelay $0x3  }
0x36: {  	p1 =	seq.s32 s10, $0x1;
	s10 =	sld [smem:$0x3FB5];
	_ =	sdelay $0x3  }
0x37: {  	[smem:$0x3FB5] =	sst s10  }
0x38: {  	s10 =	sld [smem:$0x3FB6]  }
0x39: {  	_ = 	snop;
	(pc) =	sbr.ind lr, $3  }
0x3a: {  	_ = 	snop  }
0x3b: {  	_ = 	snop  }
0x3c: {  	p2 =	seq.s32 s10, $0x1;
	s10 =	sld [smem:$0x3FB5]  }
0x3d: {  	_ =	shalt  }
0x3e: {  	_ =	shalt  }
0x3f: {  	_ =	shalt  }
0x40: {  	_ =	shalt  }
0x41: {  	_ =	shalt  }
0x42: {  	_ =	shalt  }
0x43: {  	_ =	shalt  }
0x44: {  	_ =	shalt  }
0x45: {  	_ =	shalt  }
0x46: {  	_ =	shalt  }
0x47: {  	_ =	shalt  }
0x48: {  	_ =	shalt  }
0x49: {  	_ =	shalt  }
0x4a: {  	_ =	shalt  }
0x4b: {  	_ =	shalt  }
0x4c: {  	_ =	shalt  }
0x4d: {  	_ =	shalt  }
0x4e: {  	_ =	shalt  }
0x4f: {  	_ =	shalt  }
0x50: {  	_ =	shalt  }
0x51: {  	_ =	shalt  }
0x52: {  	_ =	shalt  }
0x53: {  	_ =	shalt  }
0x54: {  	_ =	shalt  }
0x55: {  	_ =	shalt  }
0x56: {  	_ =	shalt  }
0x57: {  	_ =	shalt  }
0x58: {  	_ =	shalt  }
0x59: {  	_ =	shalt  }
0x5a: {  	_ =	shalt  }
0x5b: {  	_ =	shalt  }
0x5c: {  	_ =	shalt  }
0x5d: {  	_ =	shalt  }
0x5e: {  	_ =	shalt  }
0x5f: {  	_ =	shalt  }
0x60: {  	_ =	shalt  }
0x61: {  	_ =	shalt  }
0x62: {  	_ =	shalt  }
0x63: {  	_ =	shalt  }
0x64: {  	_ =	shalt  }
0x65: {  	_ =	shalt  }
0x66: {  	_ =	shalt  }
0x67: {  	_ =	shalt  }
0x68: {  	_ =	shalt  }
0x69: {  	_ =	shalt  }
0x6a: {  	_ =	shalt  }
0x6b: {  	_ =	shalt  }
0x6c: {  	_ =	shalt  }
0x6d: {  	_ =	shalt  }
0x6e: {  	_ =	shalt  }
0x6f: {  	_ =	shalt  }
0x70: {  	_ =	shalt  }
0x71: {  	_ =	shalt  }
0x72: {  	_ =	shalt  }
0x73: {  	_ =	shalt  }
0x74: {  	_ =	shalt  }
0x75: {  	_ =	shalt  }
0x76: {  	_ =	shalt  }
0x77: {  	_ =	shalt  }
0x78: {  	_ =	shalt  }
0x79: {  	_ =	shalt  }
0x7a: {  	_ =	shalt  }
0x7b: {  	_ =	shalt  }
0x7c: {  	_ =	shalt  }
0x7d: {  	_ =	shalt  }
0x7e: {  	_ =	shalt  }
0x7f: {  	_ =	shalt  }
0x80: {  	_ =	shalt  }
0x81: {  	_ =	shalt  }
0x82: {  	_ =	shalt  }
0x83: {  	_ =	shalt  }
0x84: {  	_ =	shalt  }
0x85: {  	_ =	shalt  }
0x86: {  	_ =	shalt  }
0x87: {  	_ =	shalt  }
.Lfunc_end0:
.L_simem_size_0:
called_computation_lowered:
.L_overlay_start_0:
0x88: {  	s0 =	sld [smem:$0x3FD9]  }
0x89: {  	s1 =	sld [smem:$0x3FFE];
	_ =	sdelay $0x3  }
0x8a: {  	s0 =	sadd.s32 s1, s0  }
0x8b: {  	[smem:$0x3FC1] =	sst s0  }
0x8c: {  	_ = 	snop  }
0x8d: {  	(tm) =	ssettm $0x1  }
0x8e: {  	s15 =	sld [smem:$0x3FFB];
	_ =	sdelay $0x3  }
0x8f: {  	_ =	strace s15  }
0x90: {  	s0 =	sld [smem:$0x3FFC];
	_ =	sdelay $0x3  }
0x91: {  	_ =	strace s0  }
0x92: {  	s0 =	sld [smem:$0x3FFD];
	_ =	sdelay $0x3  }
0x93: {  	_ =	strace s0  }
0x94: {  	_ =	strace $0x8FFFFFFF  }
0x95: {  	s16 =	sld [smem:$0x3FDB];
	_ =	sdelay $0x1  }
0x96: {  	s17 =	simm.s32 $_scs_section_size  }
0x97: {  	s2 =	simm.s32 $_size__tile_overlayer_lowered;
	s3 =	simm.s32 $_tile_overlayer_lowered  }
0x98: {  	s20 =	simm.s32 $0x1BFF;
	s19 =	sshll.u32 s3, $0x1;
	s0 =	sadd.s32 s17, s16  }
0x99: {  	s4 =	simm.s32 $0x0;
	s18 =	sshll.u32 s2, $0x1;
	s2 =	sadd.s32 s19, s0  }
0x9a: {  	[timem:s4], [sflag:s20] =	dma.local [hbm:s2], s18  }
0x9b: {  	_ =	swait.ge [sflag:s20], s18  }
0x9c: {  	s1 =	ssub.s32 $0x0, s18;
	[sflag:s20] =	ssyncset.done $0x0  }
0x9d: {  	[sflag:s20] =	ssyncadd.s32 s1;
	_ =	sdelay $0x1  }
0x9e: {  	s21 =	simm.s32 $0x1B8B  }
0x9f: {  	_ =	swait.ge [sflag:s21], $0x1  }
0xa0: {  	[sflag:s21] =	ssyncset.done $0x0  }
0xa1: {  	s23 =	simm.s32 $0x1B8E;
	s22 =	sld [smem:$0x3FFE];
	[sflag:s21] =	ssyncadd.s32 $0xFFFFFFFF  }
0xa2: {  	s24 =	simm.s32 $execute0_lowered;
	[smem:$0x3FD2] =	sst s23  }
0xa3: {  	s2 =	sshll.u32 s24, $0x1;
	_ =	strace $0x80000046;
	[dreg:$0x1] =	wrdreg $0xFFFFFFFF  }
0xa4: {  	s25 =	simm.s32 $_size_execute0_lowered;
	s0 =	sadd.s32 s0, s2;
	[dreg:$0x0] =	wrdreg $0x0  }
0xa5: {  	s2 =	sshll.u32 s25, $0x1;
	[dreg:$0x2] =	wrdreg s0  }
0xa6: {  	[dreg:$0x3] =	wrdreg s2  }
0xa7: {  	[dreg:$0x4] =	wrdreg $0xC0  }
0xa8: {  	_ =	task [dreg:s4], $0x5FFFF  }
0xa9: {  	[dreg:$0x1] =	wrdreg $0xFFFFFFFF  }
0xaa: {  	[dreg:$0x0] =	wrdreg $0x60  }
0xab: {  	[dreg:$0x2] =	wrdreg s22  }
0xac: {  	[dreg:$0x3] =	wrdreg $0x9  }
0xad: {  	_ =	task.clear_ibuf [dreg:s4], $0x4FFFF;
	_ =	strace $0x90000046  }
0xae: {  	s26 =	simm.s32 $0x9;
	_ =	strace $0x80000048  }
0xaf: {  	_ =	swait.ge [sflag:s26], $0x1  }
0xb0: {  	[sflag:s26] =	ssyncadd.s32 $0xFFFFFFFF  }
0xb1: {  	_ =	strace $0x90000048  }
0xb2: {  	_ =	sfence  }
0xb3: {  	s28 =	sld [smem:$0x0];
	_ =	sdelay $0x1  }
0xb4: {  	s29 =	srdreg.scid  }
0xb5: {  	s30 =	sshll.u32 s29, $0xD;
	s31 =	sshrl.u32 s29, $0x2  }
0xb6: {  	s1 =	sand.u32 $0x1, s29;
	s2 =	sand.u32 $0x4000, s30;
	s0 =	sadd.s32 s31, s28  }
0xb7: {  	s1 =	sor.u32 s2, s1;
	s0 =	sshll.u32 s0, $0x11  }
0xb8: {  	s0 =	sor.u32 s0, s1  }
0xb9: {  	s0 =	sadd.s32 $0x8F2B, s0  }
0xba: {  	[sflag:s0] =	ssyncadd.remote.s32 $0x1  }
0xbb: {  	_ =	sfence.sel $0xFFFF  }
0xbc: {  	[dreg:$0x0] =	wrdreg $0xFFFFFFFF;
	(pc) =	sbr.abs _section_cstart, $3  }
0xbd: {  	[dreg:$0x1] =	wrdreg $0xFFFFFFFF  }
0xbe: {  	_ =	task.clear_ibuf [dreg:s4], $0x2FFFF;
	_ =	strace $0x9FFFFFFF  }
0xbf: {  	(tm) =	ssettm $0x7FFFFFFF  }
tec
execute0_lowered:
.L_overlay_start_1:
0x0: {  	(tag) =	ssettag $0x1  }
0x1: {  	s2 =	rddreg [dreg:$0x0]  }
0x2: {  	s0 =	rddreg [dreg:$0x1];
	_ =	strace $0x80000047;
	s3 =	stileid.u32  }
0x3: {  	s4 =	simm.s32 $0x3E;
	s1 =	sadd.s32 $0x2000, s2;
	p0 =	sne.s32 s3, $0x0  }
0x4: {  	[sflag:s4] =	ssyncpa.u1 $0x0;
	s5 =	simm.s32 @!p0 $0x1C3E;
	s6 =	simm.s32 @!p0 $0x0  }
0x5: {  	[spmem:s6], [sflag:s5] =	dma.local @!p0 [hbm:s1], $0x10  }
0x6: {  	s5 =	simm.s32 @!p0 $0x3E  }
0x7: {  	_ =	swait.ge @!p0 [sflag:s5], $0x10  }
0x8: {  	[sflag:s5] =	ssyncset.done @!p0 $0x0  }
0x9: {  	s26 =	simm.s32 $0x1;
	[sflag:s5] =	ssyncadd.s32 @!p0 $0xFFFFFFF0  }
0xa: {  	s29 =	simm.s32 $0x2;
	s7 =	simm.s32 $0x808;
	[bflag:$0x0] =	sbarrier.arrive $0xFFFF  }
0xb: {  	s28 =	sadd.s32 $0x1000, s2;
	s30 =	sadd.s32 $0x4000, s2;
	[sflag:s4] =	ssyncpa.u1 $0x1  }
0xc: {  	s3 =	sshll.u32 s3, $0x8;
	s2 =	simm.s32 $0x0;
	[sflag:s26] =	ssyncpa.u1 $0x0  }
0xd: {  	s4 =	sadd.s32 s28, s3;
	(ifvalue) =	ssetifvalue $0x80;
	[sflag:s29] =	ssyncpa.u1 $0x0  }
0xe: {  	[tilespmem:s7], [sflag:$0x2] =	stream.linear.gather [hbm4b:s4+s2], $0x800, $0x38;
	[tilespmem:$0x2008] =	vst v63  }
0xf: {  	s31 =	sadd.s32 s30, s3;
	s3 =	simm.s32 $0x1808  }
0x10: {  	[tilespmem:s3], [sflag:$0x2] =	stream.linear.gather [hbm4b:s31+s2], $0x800, $0x38;
	[tilespmem:$0x2008] =	vst v63  }
0x11: {  	_ =	swait.ge [sflag:s29], $0x1000  }
0x12: {  	[sflag:s29] =	ssyncset.done $0x0  }
0x13: {  	[sflag:s29] =	ssyncadd.s32 $0xFFFFF000  }
0x14: {  	v0 =	vld.msk [tilespmem:s7+$0x0 ss:$0x1], $0xffff;
	_ =	sdelay $0x4  }
0x15: {  	v0 =	vmin.u32 v0, $0x80;
	_ =	sdelay $0x3  }
0x16: {  	vm0 =	vmmov $0xffff;
	s5 =	simm.s32 $0x818;
	s4 =	simm.s32 $0x0  }
0x17: {  	[spmem:s2] =	stream.indirect_vreg.scatter.add.s32 [tilespmem:s3], [sflag:$0x1], $0x1, v0, vm0, $0x4038;
	[tilespmem:$0x2008] =	vst v63  }
.LBB2_1:
0x18: {  	v0 =	vld.msk [tilespmem:s5+$0x0 ss:$0x1], $0xffff;
	s4 =	sadd.s32 $0x10, s4  }
0x19: {  	p1 =	slt.u32 s4, $0x7F0;
	_ =	sdelay $0x4  }
0x1a: {  	v0 =	vmin.u32 v0, $0x80  }
.Ltmp0:
0x1b: {  	(pc) =	sbr.rel @p1 .LBB2_1-.Ltmp0, $3  }
0x1c: {  	_ =	sdelay $0x1  }
0x1d: {  	s5 =	sadd.s32 $0x10, s5;
	s3 =	sadd.s32 $0x10, s3  }
0x1e: {  	[spmem:s2] =	stream.indirect_vreg.scatter.add.s32 [tilespmem:s3], [sflag:$0x1], $0x1, v0, vm0, $0x4038;
	[tilespmem:$0x2008] =	vst v63  }
0x1f: {  	s2 =	simm.s32 $0x1  }
0x20: {  	_ =	swait.ge [sflag:s2], $0x800  }
0x21: {  	[sflag:s2] =	ssyncset.done $0x0  }
0x22: {  	[sflag:s2] =	ssyncadd.s32 $0xFFFFF800  }
0x23: {  	_ =	sfence.sel $0x180000  }
0x24: {  	s3 =	simm.s32 $0x2;
	[bflag:$0x0] =	sbarrier.arrive $0xFFFF  }
0x25: {  	[sflag:s3] =	ssyncpa.u1 $0x1  }
0x26: {  	[sflag:s2] =	ssyncpa.u1 $0x1  }
0x27: {  	_ =	sfence.stream.spmem  }
0x28: {  	s31 =	simm.s32 $0x3D;
	[bflag:$0x0] =	sbarrier.arrive $0xFFFF  }
0x29: {  	s2 =	simm.s32 @p0 $0x3D;
	[sflag:s31] =	ssyncpa.u1 $0x0  }
0x2a: {  	[sflag:s2] =	ssyncpa.u1 @p0 $0x1  }
0x2b: {  	[bflag:$0x0] =	sbarrier.arrive @p0 $0xFFFF  }
0x2c: {  	_ =	strace @p0 $0x90000047  }
0x2d: {  	s3 =	simm.s32 @!p0 $0x1C3D;
	s2 =	simm.s32 @!p0 $0x0;
	[bflag:$0x2] =	sbarrier.arrive @p0 $0xFFFF  }
0x2e: {  	[hbm:s1], [sflag:s3] =	dma.local @!p0 [spmem:s2], $0x10  }
0x2f: {  	s1 =	simm.s32 @!p0 $0x3D  }
0x30: {  	_ =	swait.ge @!p0 [sflag:s1], $0x10  }
0x31: {  	[sflag:s1] =	ssyncset.done @!p0 $0x0  }
0x32: {  	[sflag:s1] =	ssyncadd.s32 @!p0 $0xFFFFFFF0  }
0x33: {  	[sflag:s1] =	ssyncpa.u1 @!p0 $0x1  }
0x34: {  	[bflag:$0x0] =	sbarrier.arrive @!p0 $0xFFFF  }
0x35: {  	_ =	strace @!p0 $0x90000047  }
0x36: {  	s0 =	sadd.s32 @!p0 $0x100000, s0;
	[bflag:$0x2] =	sbarrier.arrive @!p0 $0xFFFF  }
0x37: {  	[sflag:s0] =	ssyncadd.tile.s32 @!p0 $0x1;
	_ =	shalt  }
.Lfunc_end2:
_tile_overlayer_lowered:
.L_overlay_start_2:
0x38: {  	(tag) =	ssettag $0x2  }
0x39: {  	s0 =	rddreg [dreg:$0x0];
	s2 =	stileid.u32  }
0x3a: {  	s1 =	rddreg [dreg:$0x1];
	p0 =	sne.s32 s2, $0x0  }
0x3b: {  	s3 =	rddreg [dreg:$0x2];
	[bflag:$0x3] =	sbarrier.arrive $0xFFFF;
	s2 =	simm.s32 @!p0 $0x1C01  }
0x3c: {  	[timem:s3], [sflag:s2] =	dma.local @!p0 [hbm:s0], s1  }
0x3d: {  	s0 =	simm.s32 @!p0 $0x1  }
0x3e: {  	_ =	swait.ge @!p0 [sflag:s0], s1  }
0x3f: {  	s1 =	ssub.s32 @!p0 $0x0, s1;
	[sflag:s0] =	ssyncset.done @!p0 $0x0  }
0x40: {  	[sflag:s0] =	ssyncadd.s32 @!p0 s1  }
0x41: {  	[bflag:$0x3] =	sbarrier.arrive $0xFFFF  }
0x42: {  	_ =	shalt  }

</sc_bundles>
